<compile_context>
chip_gen: v7x
topology: tpu7x:2x2x1
jax: 0.10.2.dev20260603
libtpu: 0.0.44.dev20260713+nightly
codegen_flags: <defaults>
</compile_context>

<pallas_src>
import functools

import jax
import jax.numpy as jnp
from jax import lax
from jax.experimental import pallas as pl
from jax.experimental.pallas import tpu as pltpu
from jax.experimental.pallas import tpu_sc as plsc

N = 10000
G = 64
D = 128
NC = 2
NS = 16
NW = NC * NS
K = 128
NPAD = 10240
DUMMY = 10016
ROWS_PER_TILE = NPAD // NS
RB = 256
NBLK = NPAD // RB



@functools.lru_cache(maxsize=None)
def _make_prop(chunks: int):
  mesh = plsc.VectorSubcoreMesh(core_axis_name="c", subcore_axis_name="s")

  @functools.partial(
      pl.kernel,
      out_type=jax.ShapeDtypeStruct((NC, NPAD, D), jnp.float32),
      mesh=mesh,
      scratch_types=[
          pltpu.VMEM((chunks, K), jnp.int32),
          pltpu.VMEM((chunks, K), jnp.int32),
          pltpu.VMEM((K, D), jnp.float32),
          pltpu.VMEM_SHARED((NPAD, D), jnp.float32),
          pltpu.SemaphoreType.DMA,
          pltpu.SemaphoreType.DMA,
      ],
  )
  def prop(c_hbm, src_hbm, dst_hbm, zeros_hbm, out_hbm,
           src_v, dst_v, buf, acc, sem, sem_pre):
    cid = lax.axis_index("c")
    sid = lax.axis_index("s")
    wid = cid * NS + sid
    base = sid * ROWS_PER_TILE
    pltpu.async_copy(src_hbm.at[wid], src_v, sem_pre)
    pltpu.async_copy(dst_hbm.at[wid], dst_v, sem_pre)
    for z in range(ROWS_PER_TILE // 128):
      pltpu.async_copy(zeros_hbm, acc.at[pl.ds(base + z * 128, 128)], sem_pre)
    pltpu.make_async_copy(src_hbm.at[wid], src_v, sem_pre).wait()
    pltpu.make_async_copy(dst_hbm.at[wid], dst_v, sem_pre).wait()
    for z in range(ROWS_PER_TILE // 128):
      pltpu.make_async_copy(zeros_hbm,
                            acc.at[pl.ds(base + z * 128, 128)], sem_pre).wait()
    plsc.subcore_barrier()

    def body(j, carry):
      pltpu.async_copy(c_hbm.at[src_v.at[j]], buf, sem).wait()
      pltpu.sync_copy(buf, acc.at[dst_v.at[j]], add=True)
      return carry

    lax.fori_loop(0, chunks, body, 0)
    plsc.subcore_barrier()
    pltpu.sync_copy(acc.at[pl.ds(base, ROWS_PER_TILE)],
                    out_hbm.at[cid, pl.ds(base, ROWS_PER_TILE)])

  return prop


@functools.lru_cache(maxsize=None)
def _make_deg(chunks: int):
  mesh = plsc.VectorSubcoreMesh(core_axis_name="c", subcore_axis_name="s")

  @functools.partial(
      pl.kernel,
      out_type=jax.ShapeDtypeStruct((NW, NPAD // 16, 16), jnp.float32),
      mesh=mesh,
      scratch_types=[
          pltpu.VMEM((chunks * K,), jnp.int32),
          pltpu.VMEM((NPAD // 16, 16), jnp.float32),
      ],
      compiler_params=pltpu.CompilerParams(needs_layout_passes=False),
  )
  def deg(dst_hbm, zeros_hbm, out_hbm, dst_v, hist):
    cid = lax.axis_index("c")
    sid = lax.axis_index("s")
    wid = cid * NS + sid
    pltpu.sync_copy(dst_hbm.at[wid], dst_v)
    pltpu.sync_copy(zeros_hbm, hist)
    ones16 = jnp.ones((16,), jnp.float32)

    def body(i, carry):
      idx = dst_v[pl.ds(i * 16, 16)]
      plsc.addupdate_scatter(hist, [idx >> 4, idx & 15], ones16)
      return carry

    lax.fori_loop(0, (chunks * K) // 16, body, 0)
    pltpu.sync_copy(hist, out_hbm.at[wid])

  return deg



def _dinv_block(deg_blk):
  d = jnp.sum(deg_blk, axis=0)
  dinv16 = jnp.where(d > 0.0, lax.rsqrt(jnp.maximum(d, 1.0)), 0.0)
  sub = lax.broadcasted_iota(jnp.int32, (RB, 16), 0) // 16
  sel = (sub == lax.broadcasted_iota(jnp.int32, (RB, 16), 1)
         ).astype(jnp.float32)
  a = lax.dot_general(sel, dinv16, (((1,), (0,)), ((), ())),
                      preferred_element_type=jnp.float32)
  lane = lax.broadcasted_iota(jnp.int32, (RB, D), 0) % 16
  out = jnp.zeros((RB, D), jnp.float32)
  for b in range(16):
    out = out + jnp.where(lane == b, a[:, b:b + 1], 0.0)
  return out


def _scale_x_body(x_ref, deg_ref, c_ref, dinv_ref):
  dinv = _dinv_block(deg_ref[...])
  dinv_ref[...] = dinv
  c_ref[...] = x_ref[...] * dinv


def _scale_x(x, deg):
  return pl.pallas_call(
      _scale_x_body,
      grid=(NBLK,),
      in_specs=[
          pl.BlockSpec((RB, D), lambda i: (i, 0)),
          pl.BlockSpec((NW, RB // 16, 16), lambda i: (0, i, 0)),
      ],
      out_specs=[
          pl.BlockSpec((RB, D), lambda i: (i, 0)),
          pl.BlockSpec((RB, D), lambda i: (i, 0)),
      ],
      out_shape=[
          jax.ShapeDtypeStruct((NPAD, D), jnp.float32),
          jax.ShapeDtypeStruct((NPAD, D), jnp.float32),
      ],
      compiler_params=pltpu.CompilerParams(skip_device_barrier=True),
  )(x, deg)


def _layer_body(s_ref, dinv_ref, w_ref, b_ref, o_ref):
  dinv = dinv_ref[...]
  sp = (s_ref[0] + s_ref[1]) * dinv
  h = lax.dot_general(sp, w_ref[...], (((1,), (1,)), ((), ())),
                      preferred_element_type=jnp.float32)
  o_ref[...] = jnp.maximum(h + b_ref[...], 0.0) * dinv


def _layer(s, dinv_b, W, b):
  return pl.pallas_call(
      _layer_body,
      grid=(NBLK,),
      in_specs=[
          pl.BlockSpec((NC, RB, D), lambda i: (0, i, 0)),
          pl.BlockSpec((RB, D), lambda i: (i, 0)),
          pl.BlockSpec((D, D), lambda i: (0, 0)),
          pl.BlockSpec((1, D), lambda i: (0, 0)),
      ],
      out_specs=pl.BlockSpec((RB, D), lambda i: (i, 0)),
      out_shape=jax.ShapeDtypeStruct((NPAD, D), jnp.float32),
      compiler_params=pltpu.CompilerParams(skip_device_barrier=True),
  )(s, dinv_b, W, b)


def _pool_body(s_ref, dinv_ref, batch_ref, w_ref, b_ref, o_ref, s_acc, c_acc):
  i = pl.program_id(0)

  @pl.when(i == 0)
  def _():
    s_acc[...] = jnp.zeros_like(s_acc)
    c_acc[...] = jnp.zeros_like(c_acc)

  p = (s_ref[0] + s_ref[1]) * dinv_ref[...]
  bid = batch_ref[...]
  onehot = (lax.broadcasted_iota(jnp.int32, (RB, G), 1) == bid
            ).astype(jnp.float32)
  s_acc[...] += lax.dot_general(onehot, p, (((0,), (0,)), ((), ())),
                                preferred_element_type=jnp.float32)
  c_acc[...] += lax.dot_general(onehot, jnp.ones((RB, D), jnp.float32),
                                (((0,), (0,)), ((), ())),
                                preferred_element_type=jnp.float32)

  @pl.when(i == NBLK - 1)
  def _():
    cnt = c_acc[...]
    pooled = s_acc[...] / jnp.maximum(cnt, 1.0)
    res = lax.dot_general(pooled, w_ref[...], (((1,), (1,)), ((), ())),
                          preferred_element_type=jnp.float32)
    o_ref[...] = res + jnp.where(cnt > 0.0, b_ref[...], 0.0)


def _pool(s, dinv_b, batch_pad, W, b):
  return pl.pallas_call(
      _pool_body,
      grid=(NBLK,),
      in_specs=[
          pl.BlockSpec((NC, RB, D), lambda i: (0, i, 0)),
          pl.BlockSpec((RB, D), lambda i: (i, 0)),
          pl.BlockSpec((RB, 1), lambda i: (i, 0)),
          pl.BlockSpec((D, D), lambda i: (0, 0)),
          pl.BlockSpec((1, D), lambda i: (0, 0)),
      ],
      out_specs=pl.BlockSpec((G, D), lambda i: (0, 0)),
      out_shape=jax.ShapeDtypeStruct((G, D), jnp.float32),
      scratch_shapes=[
          pltpu.VMEM((G, D), jnp.float32),
          pltpu.VMEM((G, D), jnp.float32),
      ],
      compiler_params=pltpu.CompilerParams(skip_device_barrier=True),
  )(s, dinv_b, batch_pad, W, b)



def kernel(x, edge_index, batch, W1, b1, W2, b2, W3, b3):
  loops = jnp.arange(N, dtype=jnp.int32)
  src = jnp.concatenate([edge_index[0].astype(jnp.int32), loops])
  dst = jnp.concatenate([edge_index[1].astype(jnp.int32), loops])
  etot = src.shape[0]
  chunks = -(-etot // (NW * K))
  epad = chunks * NW * K
  src = jnp.concatenate([src, jnp.zeros((epad - etot,), jnp.int32)])
  dst = jnp.concatenate([dst, jnp.full((epad - etot,), DUMMY, jnp.int32)])
  srcr = src.reshape(NW, chunks, K)
  dstr = dst.reshape(NW, chunks, K)

  zeros_rows = jnp.zeros((128, D), jnp.float32)
  batch_pad = jnp.pad(batch.astype(jnp.int32), (0, NPAD - N),
                      constant_values=G).reshape(NPAD, 1)

  prop = _make_prop(chunks)
  deg = _make_deg(chunks)(dst.reshape(NW, chunks * K),
                          jnp.zeros((NPAD // 16, 16), jnp.float32))

  c0, dinv_b = _scale_x(x, deg)
  s1 = prop(c0, srcr, dstr, zeros_rows)
  c1 = _layer(s1, dinv_b, W1, b1.reshape(1, D))
  s2 = prop(c1, srcr, dstr, zeros_rows)
  c2 = _layer(s2, dinv_b, W2, b2.reshape(1, D))
  s3 = prop(c2, srcr, dstr, zeros_rows)
  return _pool(s3, dinv_b, batch_pad, W3, b3.reshape(1, D))

# --- scband reference (transcript-rebuilt; emitter-appended) ---
"""Pipeline reference for scband-gnnencoder-4750233830188 (READ-ONLY COPY).

The authoritative reference and input builder live on the scoring server;
editing this copy changes nothing except your own understanding.
"""

import jax, jax.numpy as jnp
import numpy as np

N = 10000
E = 320000
D_IN = 128
D_HID = 128
D_OUT = 128
G = 64


def setup_inputs(seed: int = 0) -> dict:
    key = jax.random.key(seed)
    k1, k2, k3, k4, k5, k6, k7, k8, k9 = jax.random.split(key, 9)
    x = jax.random.normal(k1, (N, D_IN), dtype=jnp.float32)
    edge_index = jax.random.randint(k2, (2, E), 0, N, dtype=jnp.int64)
    batch = jnp.sort(jax.random.randint(k3, (N,), 0, G, dtype=jnp.int64))
    s1 = 1.0 / np.sqrt(D_IN)
    s2 = 1.0 / np.sqrt(D_HID)
    W1 = jax.random.uniform(k4, (D_HID, D_IN), jnp.float32, -s1, s1)
    b1 = jnp.zeros((D_HID,), jnp.float32)
    W2 = jax.random.uniform(k5, (D_HID, D_HID), jnp.float32, -s2, s2)
    b2 = jnp.zeros((D_HID,), jnp.float32)
    W3 = jax.random.uniform(k6, (D_OUT, D_HID), jnp.float32, -s2, s2)
    b3 = jnp.zeros((D_OUT,), jnp.float32)
    return {"x": x, "edge_index": edge_index, "batch": batch,
            "W1": W1, "b1": b1, "W2": W2, "b2": b2, "W3": W3, "b3": b3}


def _gcn_conv(x, src, dst, W, b, n_nodes):
    # PyG GCNConv: linear, add self-loops (already in src/dst), symmetric norm, scatter-add, bias
    h = x @ W.T
    deg = jnp.zeros((n_nodes,), h.dtype).at[dst].add(1.0)
    dinv = jnp.where(deg > 0, deg ** -0.5, 0.0)
    norm = dinv[src] * dinv[dst]
    msg = h[src] * norm[:, None]
    out = jnp.zeros((n_nodes, h.shape[1]), h.dtype).at[dst].add(msg)
    return out + b


def reference(x, edge_index, batch, W1, b1, W2, b2, W3, b3):
    loops = jnp.arange(N, dtype=edge_index.dtype)
    src = jnp.concatenate([edge_index[0], loops])
    dst = jnp.concatenate([edge_index[1], loops])
    h = _gcn_conv(x, src, dst, W1, b1, N)
    h = jax.nn.relu(h)
    # dropout p=0.1 is identity in eval mode
    h = _gcn_conv(h, src, dst, W2, b2, N)
    h = jax.nn.relu(h)
    h = _gcn_conv(h, src, dst, W3, b3, N)
    # global_mean_pool over batch ids
    sums = jax.ops.segment_sum(h, batch, num_segments=G)
    counts = jax.ops.segment_sum(jnp.ones((N,), h.dtype), batch, num_segments=G)
    return sums / jnp.clip(counts, 1.0)[:, None]

if __name__ == "__main__":
    import jax
    _d = setup_inputs()
    print(jax.jit(kernel)(*tuple(_d.values())))

</pallas_src>

<mosaic_0001>
#map = affine_map<(d0, d1) -> (0, 0)>
#map1 = affine_map<(d0, d1) -> (0, 0, 0)>
module attributes {stable_mosaic.version = 14 : i64} {
  func.func @prop(%arg0: i32, %arg1: i32, %arg2: memref<10240x128xf32, #tpu.memory_space<hbm>>, %arg3: memref<32x81x128xi32, #tpu.memory_space<hbm>>, %arg4: memref<32x81x128xi32, #tpu.memory_space<hbm>>, %arg5: memref<128x128xf32, #tpu.memory_space<hbm>>, %arg6: memref<2x10240x128xf32, #tpu.memory_space<hbm>>, %arg7: memref<81x128xi32, #tpu.memory_space<vmem>>, %arg8: memref<81x128xi32, #tpu.memory_space<vmem>>, %arg9: memref<128x128xf32, #tpu.memory_space<vmem>>, %arg10: memref<10240x128xf32, #tpu.memory_space<vmem_shared>>, %arg11: memref<!tpu.dma_semaphore, #tpu.memory_space<semaphore_mem>>, %arg12: memref<!tpu.dma_semaphore, #tpu.memory_space<semaphore_mem>>) attributes {dimension_semantics = [#tpu.dimension_semantics<core_parallel>, #tpu.dimension_semantics<subcore_parallel>], iteration_bounds = array<i64: 2, 16>, scalar_prefetch = 0 : i64, scratch_operands = 6 : i64, tpu.core_type = #tpu.core_type<sc_vector_subcore>, window_params = [{transform_indices = #map}, {transform_indices = #map1}, {transform_indices = #map1}, {transform_indices = #map}, {transform_indices = #map1}]} {
    %mul3A = arith.constant 16 : i32
    %mul3A_0 = arith.muli %arg0, %mul3A : i32
    %add3A = arith.addi %mul3A_0, %arg1 : i32
    %mul3A_1 = arith.constant 640 : i32
    %mul3A_2 = arith.muli %arg1, %mul3A_1 : i32
    %dma_start3A = arith.constant 0 : i32
    %dma_start3A_3 = arith.constant 0 : i32
    %dma_start3A_4 = tpu.memref_slice %arg3[%add3A, %dma_start3A, %dma_start3A_3] : memref<32x81x128xi32, #tpu.memory_space<hbm>> -> memref<1x81x128xi32, #tpu.memory_space<hbm>>
    %dma_start3A_5 = tpu.memref_squeeze %dma_start3A_4 : memref<1x81x128xi32, #tpu.memory_space<hbm>> -> memref<81x128xi32, #tpu.memory_space<hbm>>
    %dma_start3A_6 = arith.constant 0 : i32
    %dma_start3A_7 = arith.constant 0 : i32
    %dma_start3A_8 = tpu.memref_slice %arg3[%add3A, %dma_start3A_6, %dma_start3A_7] : memref<32x81x128xi32, #tpu.memory_space<hbm>> -> memref<1x81x128xi32, #tpu.memory_space<hbm>>
    %dma_start3A_9 = tpu.memref_squeeze %dma_start3A_8 : memref<1x81x128xi32, #tpu.memory_space<hbm>> -> memref<81x128xi32, #tpu.memory_space<hbm>>
    tpu.enqueue_dma source(%dma_start3A_9 : memref<81x128xi32, #tpu.memory_space<hbm>>) target(%arg7 : memref<81x128xi32, #tpu.memory_space<vmem>>) target_semaphore(%arg12 : memref<!tpu.dma_semaphore, #tpu.memory_space<semaphore_mem>>)
    %dma_start3A_10 = arith.constant 0 : i32
    %dma_start3A_11 = arith.constant 0 : i32
    %dma_start3A_12 = tpu.memref_slice %arg4[%add3A, %dma_start3A_10, %dma_start3A_11] : memref<32x81x128xi32, #tpu.memory_space<hbm>> -> memref<1x81x128xi32, #tpu.memory_space<hbm>>
    %dma_start3A_13 = tpu.memref_squeeze %dma_start3A_12 : memref<1x81x128xi32, #tpu.memory_space<hbm>> -> memref<81x128xi32, #tpu.memory_space<hbm>>
    %dma_start3A_14 = arith.constant 0 : i32
    %dma_start3A_15 = arith.constant 0 : i32
    %dma_start3A_16 = tpu.memref_slice %arg4[%add3A, %dma_start3A_14, %dma_start3A_15] : memref<32x81x128xi32, #tpu.memory_space<hbm>> -> memref<1x81x128xi32, #tpu.memory_space<hbm>>
    %dma_start3A_17 = tpu.memref_squeeze %dma_start3A_16 : memref<1x81x128xi32, #tpu.memory_space<hbm>> -> memref<81x128xi32, #tpu.memory_space<hbm>>
    tpu.enqueue_dma source(%dma_start3A_17 : memref<81x128xi32, #tpu.memory_space<hbm>>) target(%arg8 : memref<81x128xi32, #tpu.memory_space<vmem>>) target_semaphore(%arg12 : memref<!tpu.dma_semaphore, #tpu.memory_space<semaphore_mem>>)
    %add3A_18 = arith.constant 0 : i32
    %add3A_19 = arith.addi %mul3A_2, %add3A_18 : i32
    %dma_start3A_20 = arith.constant 0 : i32
    %dma_start3A_21 = tpu.memref_slice %arg10[%add3A_19, %dma_start3A_20] : memref<10240x128xf32, #tpu.memory_space<vmem_shared>> -> memref<128x128xf32, #tpu.memory_space<vmem_shared>>
    tpu.enqueue_dma source(%arg5 : memref<128x128xf32, #tpu.memory_space<hbm>>) target(%dma_start3A_21 : memref<128x128xf32, #tpu.memory_space<vmem_shared>>) target_semaphore(%arg12 : memref<!tpu.dma_semaphore, #tpu.memory_space<semaphore_mem>>)
    %add3A_22 = arith.constant 128 : i32
    %add3A_23 = arith.addi %mul3A_2, %add3A_22 : i32
    %dma_start3A_24 = arith.constant 0 : i32
    %dma_start3A_25 = tpu.memref_slice %arg10[%add3A_23, %dma_start3A_24] : memref<10240x128xf32, #tpu.memory_space<vmem_shared>> -> memref<128x128xf32, #tpu.memory_space<vmem_shared>>
    tpu.enqueue_dma source(%arg5 : memref<128x128xf32, #tpu.memory_space<hbm>>) target(%dma_start3A_25 : memref<128x128xf32, #tpu.memory_space<vmem_shared>>) target_semaphore(%arg12 : memref<!tpu.dma_semaphore, #tpu.memory_space<semaphore_mem>>)
    %add3A_26 = arith.constant 256 : i32
    %add3A_27 = arith.addi %mul3A_2, %add3A_26 : i32
    %dma_start3A_28 = arith.constant 0 : i32
    %dma_start3A_29 = tpu.memref_slice %arg10[%add3A_27, %dma_start3A_28] : memref<10240x128xf32, #tpu.memory_space<vmem_shared>> -> memref<128x128xf32, #tpu.memory_space<vmem_shared>>
    tpu.enqueue_dma source(%arg5 : memref<128x128xf32, #tpu.memory_space<hbm>>) target(%dma_start3A_29 : memref<128x128xf32, #tpu.memory_space<vmem_shared>>) target_semaphore(%arg12 : memref<!tpu.dma_semaphore, #tpu.memory_space<semaphore_mem>>)
    %add3A_30 = arith.constant 384 : i32
    %add3A_31 = arith.addi %mul3A_2, %add3A_30 : i32
    %dma_start3A_32 = arith.constant 0 : i32
    %dma_start3A_33 = tpu.memref_slice %arg10[%add3A_31, %dma_start3A_32] : memref<10240x128xf32, #tpu.memory_space<vmem_shared>> -> memref<128x128xf32, #tpu.memory_space<vmem_shared>>
    tpu.enqueue_dma source(%arg5 : memref<128x128xf32, #tpu.memory_space<hbm>>) target(%dma_start3A_33 : memref<128x128xf32, #tpu.memory_space<vmem_shared>>) target_semaphore(%arg12 : memref<!tpu.dma_semaphore, #tpu.memory_space<semaphore_mem>>)
    %add3A_34 = arith.constant 512 : i32
    %add3A_35 = arith.addi %mul3A_2, %add3A_34 : i32
    %dma_start3A_36 = arith.constant 0 : i32
    %dma_start3A_37 = tpu.memref_slice %arg10[%add3A_35, %dma_start3A_36] : memref<10240x128xf32, #tpu.memory_space<vmem_shared>> -> memref<128x128xf32, #tpu.memory_space<vmem_shared>>
    tpu.enqueue_dma source(%arg5 : memref<128x128xf32, #tpu.memory_space<hbm>>) target(%dma_start3A_37 : memref<128x128xf32, #tpu.memory_space<vmem_shared>>) target_semaphore(%arg12 : memref<!tpu.dma_semaphore, #tpu.memory_space<semaphore_mem>>)
    %dma_wait3A = arith.constant 0 : i32
    %dma_wait3A_38 = arith.constant 0 : i32
    %dma_wait3A_39 = tpu.memref_slice %arg3[%add3A, %dma_wait3A, %dma_wait3A_38] : memref<32x81x128xi32, #tpu.memory_space<hbm>> -> memref<1x81x128xi32, #tpu.memory_space<hbm>>
    %dma_wait3A_40 = tpu.memref_squeeze %dma_wait3A_39 : memref<1x81x128xi32, #tpu.memory_space<hbm>> -> memref<81x128xi32, #tpu.memory_space<hbm>>
    %dma_wait3A_41 = arith.constant 0 : i32
    %dma_wait3A_42 = arith.constant 0 : i32
    %dma_wait3A_43 = tpu.memref_slice %arg3[%add3A, %dma_wait3A_41, %dma_wait3A_42] : memref<32x81x128xi32, #tpu.memory_space<hbm>> -> memref<1x81x128xi32, #tpu.memory_space<hbm>>
    %dma_wait3A_44 = tpu.memref_squeeze %dma_wait3A_43 : memref<1x81x128xi32, #tpu.memory_space<hbm>> -> memref<81x128xi32, #tpu.memory_space<hbm>>
    tpu.wait_dma2 semaphore(%arg12 : memref<!tpu.dma_semaphore, #tpu.memory_space<semaphore_mem>>) src(%dma_wait3A_44 : memref<81x128xi32, #tpu.memory_space<hbm>>) dst(%arg7 : memref<81x128xi32, #tpu.memory_space<vmem>>)
    %dma_wait3A_45 = arith.constant 0 : i32
    %dma_wait3A_46 = arith.constant 0 : i32
    %dma_wait3A_47 = tpu.memref_slice %arg4[%add3A, %dma_wait3A_45, %dma_wait3A_46] : memref<32x81x128xi32, #tpu.memory_space<hbm>> -> memref<1x81x128xi32, #tpu.memory_space<hbm>>
    %dma_wait3A_48 = tpu.memref_squeeze %dma_wait3A_47 : memref<1x81x128xi32, #tpu.memory_space<hbm>> -> memref<81x128xi32, #tpu.memory_space<hbm>>
    %dma_wait3A_49 = arith.constant 0 : i32
    %dma_wait3A_50 = arith.constant 0 : i32
    %dma_wait3A_51 = tpu.memref_slice %arg4[%add3A, %dma_wait3A_49, %dma_wait3A_50] : memref<32x81x128xi32, #tpu.memory_space<hbm>> -> memref<1x81x128xi32, #tpu.memory_space<hbm>>
    %dma_wait3A_52 = tpu.memref_squeeze %dma_wait3A_51 : memref<1x81x128xi32, #tpu.memory_space<hbm>> -> memref<81x128xi32, #tpu.memory_space<hbm>>
    tpu.wait_dma2 semaphore(%arg12 : memref<!tpu.dma_semaphore, #tpu.memory_space<semaphore_mem>>) src(%dma_wait3A_52 : memref<81x128xi32, #tpu.memory_space<hbm>>) dst(%arg8 : memref<81x128xi32, #tpu.memory_space<vmem>>)
    %add3A_53 = arith.constant 0 : i32
    %add3A_54 = arith.addi %mul3A_2, %add3A_53 : i32
    %dma_wait3A_55 = arith.constant 0 : i32
    %dma_wait3A_56 = tpu.memref_slice %arg10[%add3A_54, %dma_wait3A_55] : memref<10240x128xf32, #tpu.memory_space<vmem_shared>> -> memref<128x128xf32, #tpu.memory_space<vmem_shared>>
    tpu.wait_dma2 semaphore(%arg12 : memref<!tpu.dma_semaphore, #tpu.memory_space<semaphore_mem>>) src(%arg5 : memref<128x128xf32, #tpu.memory_space<hbm>>) dst(%dma_wait3A_56 : memref<128x128xf32, #tpu.memory_space<vmem_shared>>)
    %add3A_57 = arith.constant 128 : i32
    %add3A_58 = arith.addi %mul3A_2, %add3A_57 : i32
    %dma_wait3A_59 = arith.constant 0 : i32
    %dma_wait3A_60 = tpu.memref_slice %arg10[%add3A_58, %dma_wait3A_59] : memref<10240x128xf32, #tpu.memory_space<vmem_shared>> -> memref<128x128xf32, #tpu.memory_space<vmem_shared>>
    tpu.wait_dma2 semaphore(%arg12 : memref<!tpu.dma_semaphore, #tpu.memory_space<semaphore_mem>>) src(%arg5 : memref<128x128xf32, #tpu.memory_space<hbm>>) dst(%dma_wait3A_60 : memref<128x128xf32, #tpu.memory_space<vmem_shared>>)
    %add3A_61 = arith.constant 256 : i32
    %add3A_62 = arith.addi %mul3A_2, %add3A_61 : i32
    %dma_wait3A_63 = arith.constant 0 : i32
    %dma_wait3A_64 = tpu.memref_slice %arg10[%add3A_62, %dma_wait3A_63] : memref<10240x128xf32, #tpu.memory_space<vmem_shared>> -> memref<128x128xf32, #tpu.memory_space<vmem_shared>>
    tpu.wait_dma2 semaphore(%arg12 : memref<!tpu.dma_semaphore, #tpu.memory_space<semaphore_mem>>) src(%arg5 : memref<128x128xf32, #tpu.memory_space<hbm>>) dst(%dma_wait3A_64 : memref<128x128xf32, #tpu.memory_space<vmem_shared>>)
    %add3A_65 = arith.constant 384 : i32
    %add3A_66 = arith.addi %mul3A_2, %add3A_65 : i32
    %dma_wait3A_67 = arith.constant 0 : i32
    %dma_wait3A_68 = tpu.memref_slice %arg10[%add3A_66, %dma_wait3A_67] : memref<10240x128xf32, #tpu.memory_space<vmem_shared>> -> memref<128x128xf32, #tpu.memory_space<vmem_shared>>
    tpu.wait_dma2 semaphore(%arg12 : memref<!tpu.dma_semaphore, #tpu.memory_space<semaphore_mem>>) src(%arg5 : memref<128x128xf32, #tpu.memory_space<hbm>>) dst(%dma_wait3A_68 : memref<128x128xf32, #tpu.memory_space<vmem_shared>>)
    %add3A_69 = arith.constant 512 : i32
    %add3A_70 = arith.addi %mul3A_2, %add3A_69 : i32
    %dma_wait3A_71 = arith.constant 0 : i32
    %dma_wait3A_72 = tpu.memref_slice %arg10[%add3A_70, %dma_wait3A_71] : memref<10240x128xf32, #tpu.memory_space<vmem_shared>> -> memref<128x128xf32, #tpu.memory_space<vmem_shared>>
    tpu.wait_dma2 semaphore(%arg12 : memref<!tpu.dma_semaphore, #tpu.memory_space<semaphore_mem>>) src(%arg5 : memref<128x128xf32, #tpu.memory_space<hbm>>) dst(%dma_wait3A_72 : memref<128x128xf32, #tpu.memory_space<vmem_shared>>)
    %barrier3A = arith.constant 0 : index
    tpu.barrier barrier_id(%barrier3A)
    %scan3A = arith.constant 0 : i32
    %scan3A_73 = arith.constant 0 : i32
    %scan3A_74 = arith.constant 81 : i32
    %scan3A_75 = arith.addi %scan3A_73, %scan3A_74 : i32
    %scan3A_76 = arith.constant 1 : i32
    scf.for %scan3A_79 = %scan3A_73 to %scan3A_75 step %scan3A_76  : i32 {
      %dma_start3A_80 = arith.constant 0 : i32
      %dma_start3A_81 = tpu.memref_slice %arg7[%scan3A_79, %dma_start3A_80] : memref<81x128xi32, #tpu.memory_space<vmem>> -> memref<1x128xi32, #tpu.memory_space<vmem>>
      %dma_start3A_82 = tpu.memref_squeeze %dma_start3A_81 : memref<1x128xi32, #tpu.memory_space<vmem>> -> memref<128xi32, #tpu.memory_space<vmem>>
      %dma_start3A_83 = arith.constant 0 : i32
      %dma_start3A_84 = arith.constant 0 : i32
      %dma_start3A_85 = tpu.memref_slice %arg2[%dma_start3A_83, %dma_start3A_84] : memref<10240x128xf32, #tpu.memory_space<hbm>> -> memref<10240x128xf32, #tpu.memory_space<hbm>>
      tpu.enqueue_indirect_dma source(%dma_start3A_85 : memref<10240x128xf32, #tpu.memory_space<hbm>>) target(%arg9 : memref<128x128xf32, #tpu.memory_space<vmem>>) offsets(%dma_start3A_82 : memref<128xi32, #tpu.memory_space<vmem>>) semaphore(%arg11 : memref<!tpu.dma_semaphore, #tpu.memory_space<semaphore_mem>>)
      %dma_wait3A_86 = arith.constant 0 : i32
      %dma_wait3A_87 = tpu.memref_slice %arg7[%scan3A_79, %dma_wait3A_86] : memref<81x128xi32, #tpu.memory_space<vmem>> -> memref<1x128xi32, #tpu.memory_space<vmem>>
      %dma_wait3A_88 = tpu.memref_squeeze %dma_wait3A_87 : memref<1x128xi32, #tpu.memory_space<vmem>> -> memref<128xi32, #tpu.memory_space<vmem>>
      %dma_wait3A_89 = arith.constant 0 : i32
      %dma_wait3A_90 = arith.constant 0 : i32
      %dma_wait3A_91 = tpu.memref_slice %arg2[%dma_wait3A_89, %dma_wait3A_90] : memref<10240x128xf32, #tpu.memory_space<hbm>> -> memref<10240x128xf32, #tpu.memory_space<hbm>>
      tpu.wait_indirect_dma semaphore(%arg11 : memref<!tpu.dma_semaphore, #tpu.memory_space<semaphore_mem>>) src(%dma_wait3A_91 : memref<10240x128xf32, #tpu.memory_space<hbm>>) dst(%arg9 : memref<128x128xf32, #tpu.memory_space<vmem>>)
      "tpu.region"() ({
        %run_scoped3A = tpu.sem_alloc : memref<!tpu.dma_semaphore, #tpu.memory_space<semaphore_mem>>
        %dma_start3A_92 = arith.constant 0 : i32
        %dma_start3A_93 = tpu.memref_slice %arg8[%scan3A_79, %dma_start3A_92] : memref<81x128xi32, #tpu.memory_space<vmem>> -> memref<1x128xi32, #tpu.memory_space<vmem>>
        %dma_start3A_94 = tpu.memref_squeeze %dma_start3A_93 : memref<1x128xi32, #tpu.memory_space<vmem>> -> memref<128xi32, #tpu.memory_space<vmem>>
        %dma_start3A_95 = arith.constant 0 : i32
        %dma_start3A_96 = arith.constant 0 : i32
        %dma_start3A_97 = tpu.memref_slice %arg10[%dma_start3A_95, %dma_start3A_96] : memref<10240x128xf32, #tpu.memory_space<vmem_shared>> -> memref<10240x128xf32, #tpu.memory_space<vmem_shared>>
        tpu.enqueue_indirect_dma source(%arg9 : memref<128x128xf32, #tpu.memory_space<vmem>>) target(%dma_start3A_97 : memref<10240x128xf32, #tpu.memory_space<vmem_shared>>) offsets(%dma_start3A_94 : memref<128xi32, #tpu.memory_space<vmem>>) semaphore(%run_scoped3A : memref<!tpu.dma_semaphore, #tpu.memory_space<semaphore_mem>>) {add = true}
        %dma_wait3A_98 = arith.constant 0 : i32
        %dma_wait3A_99 = tpu.memref_slice %arg8[%scan3A_79, %dma_wait3A_98] : memref<81x128xi32, #tpu.memory_space<vmem>> -> memref<1x128xi32, #tpu.memory_space<vmem>>
        %dma_wait3A_100 = tpu.memref_squeeze %dma_wait3A_99 : memref<1x128xi32, #tpu.memory_space<vmem>> -> memref<128xi32, #tpu.memory_space<vmem>>
        %dma_wait3A_101 = arith.constant 0 : i32
        %dma_wait3A_102 = arith.constant 0 : i32
        %dma_wait3A_103 = tpu.memref_slice %arg10[%dma_wait3A_101, %dma_wait3A_102] : memref<10240x128xf32, #tpu.memory_space<vmem_shared>> -> memref<10240x128xf32, #tpu.memory_space<vmem_shared>>
        tpu.wait_indirect_dma semaphore(%run_scoped3A : memref<!tpu.dma_semaphore, #tpu.memory_space<semaphore_mem>>) src(%arg9 : memref<128x128xf32, #tpu.memory_space<vmem>>) dst(%dma_wait3A_103 : memref<10240x128xf32, #tpu.memory_space<vmem_shared>>)
        tpu.yield
      }) : () -> ()
    }
    %scan3A_77 = arith.constant 81 : i32
    %barrier3A_78 = arith.constant 0 : index
    tpu.barrier barrier_id(%barrier3A_78)
    "tpu.region"() ({
      %run_scoped3A = tpu.sem_alloc : memref<!tpu.dma_semaphore, #tpu.memory_space<semaphore_mem>>
      %dma_start3A_79 = arith.constant 0 : i32
      %dma_start3A_80 = tpu.memref_slice %arg6[%arg0, %mul3A_2, %dma_start3A_79] : memref<2x10240x128xf32, #tpu.memory_space<hbm>> -> memref<1x640x128xf32, #tpu.memory_space<hbm>>
      %dma_start3A_81 = tpu.memref_squeeze %dma_start3A_80 : memref<1x640x128xf32, #tpu.memory_space<hbm>> -> memref<640x128xf32, #tpu.memory_space<hbm>>
      %dma_start3A_82 = arith.constant 0 : i32
      %dma_start3A_83 = tpu.memref_slice %arg10[%mul3A_2, %dma_start3A_82] : memref<10240x128xf32, #tpu.memory_space<vmem_shared>> -> memref<640x128xf32, #tpu.memory_space<vmem_shared>>
      tpu.enqueue_dma source(%dma_start3A_83 : memref<640x128xf32, #tpu.memory_space<vmem_shared>>) target(%dma_start3A_81 : memref<640x128xf32, #tpu.memory_space<hbm>>) target_semaphore(%run_scoped3A : memref<!tpu.dma_semaphore, #tpu.memory_space<semaphore_mem>>)
      %dma_wait3A_84 = arith.constant 0 : i32
      %dma_wait3A_85 = tpu.memref_slice %arg6[%arg0, %mul3A_2, %dma_wait3A_84] : memref<2x10240x128xf32, #tpu.memory_space<hbm>> -> memref<1x640x128xf32, #tpu.memory_space<hbm>>
      %dma_wait3A_86 = tpu.memref_squeeze %dma_wait3A_85 : memref<1x640x128xf32, #tpu.memory_space<hbm>> -> memref<640x128xf32, #tpu.memory_space<hbm>>
      %dma_wait3A_87 = arith.constant 0 : i32
      %dma_wait3A_88 = tpu.memref_slice %arg10[%mul3A_2, %dma_wait3A_87] : memref<10240x128xf32, #tpu.memory_space<vmem_shared>> -> memref<640x128xf32, #tpu.memory_space<vmem_shared>>
      tpu.wait_dma2 semaphore(%run_scoped3A : memref<!tpu.dma_semaphore, #tpu.memory_space<semaphore_mem>>) src(%dma_wait3A_88 : memref<640x128xf32, #tpu.memory_space<vmem_shared>>) dst(%dma_wait3A_86 : memref<640x128xf32, #tpu.memory_space<hbm>>)
      tpu.yield
    }) : () -> ()
    return
  }
}

#map = affine_map<(d0, d1) -> (0, 0)>
#map1 = affine_map<(d0, d1) -> (0, 0, 0)>
module attributes {stable_mosaic.version = 14 : i64} {
  func.func @deg(%arg0: i32, %arg1: i32, %arg2: memref<32x10368xi32, #tpu.memory_space<hbm>>, %arg3: memref<640x16xf32, #tpu.memory_space<hbm>>, %arg4: memref<32x640x16xf32, #tpu.memory_space<hbm>>, %arg5: memref<10368xi32, #tpu.memory_space<vmem>>, %arg6: memref<640x16xf32, #tpu.memory_space<vmem>>) attributes {dimension_semantics = [#tpu.dimension_semantics<core_parallel>, #tpu.dimension_semantics<subcore_parallel>], iteration_bounds = array<i64: 2, 16>, scalar_prefetch = 0 : i64, scratch_operands = 2 : i64, tpu.core_type = #tpu.core_type<sc_vector_subcore>, window_params = [{transform_indices = #map}, {transform_indices = #map}, {transform_indices = #map1}]} {
    %mul3A = arith.constant 16 : i32
    %mul3A_0 = arith.muli %arg0, %mul3A : i32
    %add3A = arith.addi %mul3A_0, %arg1 : i32
    "tpu.region"() ({
      %run_scoped3A = tpu.sem_alloc : memref<!tpu.dma_semaphore, #tpu.memory_space<semaphore_mem>>
      %dma_start3A = arith.constant 0 : i32
      %dma_start3A_7 = tpu.memref_slice %arg2[%add3A, %dma_start3A] : memref<32x10368xi32, #tpu.memory_space<hbm>> -> memref<1x10368xi32, #tpu.memory_space<hbm>>
      %dma_start3A_8 = tpu.memref_squeeze %dma_start3A_7 : memref<1x10368xi32, #tpu.memory_space<hbm>> -> memref<10368xi32, #tpu.memory_space<hbm>>
      %dma_start3A_9 = arith.constant 0 : i32
      %dma_start3A_10 = tpu.memref_slice %arg2[%add3A, %dma_start3A_9] : memref<32x10368xi32, #tpu.memory_space<hbm>> -> memref<1x10368xi32, #tpu.memory_space<hbm>>
      %dma_start3A_11 = tpu.memref_squeeze %dma_start3A_10 : memref<1x10368xi32, #tpu.memory_space<hbm>> -> memref<10368xi32, #tpu.memory_space<hbm>>
      tpu.enqueue_dma source(%dma_start3A_11 : memref<10368xi32, #tpu.memory_space<hbm>>) target(%arg5 : memref<10368xi32, #tpu.memory_space<vmem>>) target_semaphore(%run_scoped3A : memref<!tpu.dma_semaphore, #tpu.memory_space<semaphore_mem>>)
      %dma_wait3A = arith.constant 0 : i32
      %dma_wait3A_12 = tpu.memref_slice %arg2[%add3A, %dma_wait3A] : memref<32x10368xi32, #tpu.memory_space<hbm>> -> memref<1x10368xi32, #tpu.memory_space<hbm>>
      %dma_wait3A_13 = tpu.memref_squeeze %dma_wait3A_12 : memref<1x10368xi32, #tpu.memory_space<hbm>> -> memref<10368xi32, #tpu.memory_space<hbm>>
      %dma_wait3A_14 = arith.constant 0 : i32
      %dma_wait3A_15 = tpu.memref_slice %arg2[%add3A, %dma_wait3A_14] : memref<32x10368xi32, #tpu.memory_space<hbm>> -> memref<1x10368xi32, #tpu.memory_space<hbm>>
      %dma_wait3A_16 = tpu.memref_squeeze %dma_wait3A_15 : memref<1x10368xi32, #tpu.memory_space<hbm>> -> memref<10368xi32, #tpu.memory_space<hbm>>
      tpu.wait_dma2 semaphore(%run_scoped3A : memref<!tpu.dma_semaphore, #tpu.memory_space<semaphore_mem>>) src(%dma_wait3A_16 : memref<10368xi32, #tpu.memory_space<hbm>>) dst(%arg5 : memref<10368xi32, #tpu.memory_space<vmem>>)
      tpu.yield
    }) : () -> ()
    "tpu.region"() ({
      %run_scoped3A = tpu.sem_alloc : memref<!tpu.dma_semaphore, #tpu.memory_space<semaphore_mem>>
      tpu.enqueue_dma source(%arg3 : memref<640x16xf32, #tpu.memory_space<hbm>>) target(%arg6 : memref<640x16xf32, #tpu.memory_space<vmem>>) target_semaphore(%run_scoped3A : memref<!tpu.dma_semaphore, #tpu.memory_space<semaphore_mem>>)
      tpu.wait_dma2 semaphore(%run_scoped3A : memref<!tpu.dma_semaphore, #tpu.memory_space<semaphore_mem>>) src(%arg3 : memref<640x16xf32, #tpu.memory_space<hbm>>) dst(%arg6 : memref<640x16xf32, #tpu.memory_space<vmem>>)
      tpu.yield
    }) : () -> ()
    %broadcast_in_dim3A = arith.constant 1.000000e+00 : f32
    %broadcast_in_dim3A_1 = vector.broadcast %broadcast_in_dim3A : f32 to vector<16xf32>
    %scan3A = arith.constant 0 : i32
    %scan3A_2 = arith.constant 0 : i32
    %scan3A_3 = arith.constant 648 : i32
    %scan3A_4 = arith.addi %scan3A_2, %scan3A_3 : i32
    %scan3A_5 = arith.constant 1 : i32
    scf.for %scan3A_7 = %scan3A_2 to %scan3A_4 step %scan3A_5  : i32 {
      %mul3A_8 = arith.constant 16 : i32
      %mul3A_9 = arith.muli %scan3A_7, %mul3A_8 : i32
      %get3A = arith.index_cast %mul3A_9 : i32 to index
      %get3A_10 = tpu.vector_load %arg5[%get3A] {strides = array<i32>} : memref<10368xi32, #tpu.memory_space<vmem>>, vector<16xi32>,
      %shift_right_arithmetic3A = arith.constant 4 : i32
      %shift_right_arithmetic3A_11 = vector.broadcast %shift_right_arithmetic3A : i32 to vector<16xi32>
      %shift_right_arithmetic3A_12 = arith.shrsi %get3A_10, %shift_right_arithmetic3A_11 : vector<16xi32>
      %and3A = arith.constant 15 : i32
      %and3A_13 = vector.broadcast %and3A : i32 to vector<16xi32>
      %and3A_14 = arith.andi %get3A_10, %and3A_13 : vector<16xi32>
      tpu.vector_store_idx %arg6[%shift_right_arithmetic3A_12, %and3A_14], %broadcast_in_dim3A_1 {add = true} : memref<640x16xf32, #tpu.memory_space<vmem>>[vector<16xi32>, vector<16xi32>], vector<16xf32>,
    }
    %scan3A_6 = arith.constant 648 : i32
    "tpu.region"() ({
      %run_scoped3A = tpu.sem_alloc : memref<!tpu.dma_semaphore, #tpu.memory_space<semaphore_mem>>
      %dma_start3A = arith.constant 0 : i32
      %dma_start3A_7 = arith.constant 0 : i32
      %dma_start3A_8 = tpu.memref_slice %arg4[%add3A, %dma_start3A, %dma_start3A_7] : memref<32x640x16xf32, #tpu.memory_space<hbm>> -> memref<1x640x16xf32, #tpu.memory_space<hbm>>
      %dma_start3A_9 = tpu.memref_squeeze %dma_start3A_8 : memref<1x640x16xf32, #tpu.memory_space<hbm>> -> memref<640x16xf32, #tpu.memory_space<hbm>>
      %dma_start3A_10 = arith.constant 0 : i32
      %dma_start3A_11 = arith.constant 0 : i32
      %dma_start3A_12 = tpu.memref_slice %arg4[%add3A, %dma_start3A_10, %dma_start3A_11] : memref<32x640x16xf32, #tpu.memory_space<hbm>> -> memref<1x640x16xf32, #tpu.memory_space<hbm>>
      %dma_start3A_13 = tpu.memref_squeeze %dma_start3A_12 : memref<1x640x16xf32, #tpu.memory_space<hbm>> -> memref<640x16xf32, #tpu.memory_space<hbm>>
      tpu.enqueue_dma source(%arg6 : memref<640x16xf32, #tpu.memory_space<vmem>>) target(%dma_start3A_13 : memref<640x16xf32, #tpu.memory_space<hbm>>) target_semaphore(%run_scoped3A : memref<!tpu.dma_semaphore, #tpu.memory_space<semaphore_mem>>)
      %dma_wait3A = arith.constant 0 : i32
      %dma_wait3A_14 = arith.constant 0 : i32
      %dma_wait3A_15 = tpu.memref_slice %arg4[%add3A, %dma_wait3A, %dma_wait3A_14] : memref<32x640x16xf32, #tpu.memory_space<hbm>> -> memref<1x640x16xf32, #tpu.memory_space<hbm>>
      %dma_wait3A_16 = tpu.memref_squeeze %dma_wait3A_15 : memref<1x640x16xf32, #tpu.memory_space<hbm>> -> memref<640x16xf32, #tpu.memory_space<hbm>>
      %dma_wait3A_17 = arith.constant 0 : i32
      %dma_wait3A_18 = arith.constant 0 : i32
      %dma_wait3A_19 = tpu.memref_slice %arg4[%add3A, %dma_wait3A_17, %dma_wait3A_18] : memref<32x640x16xf32, #tpu.memory_space<hbm>> -> memref<1x640x16xf32, #tpu.memory_space<hbm>>
      %dma_wait3A_20 = tpu.memref_squeeze %dma_wait3A_19 : memref<1x640x16xf32, #tpu.memory_space<hbm>> -> memref<640x16xf32, #tpu.memory_space<hbm>>
      tpu.wait_dma2 semaphore(%run_scoped3A : memref<!tpu.dma_semaphore, #tpu.memory_space<semaphore_mem>>) src(%arg6 : memref<640x16xf32, #tpu.memory_space<vmem>>) dst(%dma_wait3A_20 : memref<640x16xf32, #tpu.memory_space<hbm>>)
      tpu.yield
    }) : () -> ()
    return
  }
}

#map = affine_map<(d0, d1) -> (0, 0)>
#map1 = affine_map<(d0, d1) -> (0, 0, 0)>
module attributes {stable_mosaic.version = 14 : i64} {
  func.func @prop(%arg0: i32, %arg1: i32, %arg2: memref<10240x128xf32, #tpu.memory_space<hbm>>, %arg3: memref<32x81x128xi32, #tpu.memory_space<hbm>>, %arg4: memref<32x81x128xi32, #tpu.memory_space<hbm>>, %arg5: memref<128x128xf32, #tpu.memory_space<hbm>>, %arg6: memref<2x10240x128xf32, #tpu.memory_space<hbm>>, %arg7: memref<81x128xi32, #tpu.memory_space<vmem>>, %arg8: memref<81x128xi32, #tpu.memory_space<vmem>>, %arg9: memref<128x128xf32, #tpu.memory_space<vmem>>, %arg10: memref<10240x128xf32, #tpu.memory_space<vmem_shared>>, %arg11: memref<!tpu.dma_semaphore, #tpu.memory_space<semaphore_mem>>, %arg12: memref<!tpu.dma_semaphore, #tpu.memory_space<semaphore_mem>>) attributes {dimension_semantics = [#tpu.dimension_semantics<core_parallel>, #tpu.dimension_semantics<subcore_parallel>], iteration_bounds = array<i64: 2, 16>, scalar_prefetch = 0 : i64, scratch_operands = 6 : i64, tpu.core_type = #tpu.core_type<sc_vector_subcore>, window_params = [{transform_indices = #map}, {transform_indices = #map1}, {transform_indices = #map1}, {transform_indices = #map}, {transform_indices = #map1}]} {
    %mul3A = arith.constant 16 : i32
    %mul3A_0 = arith.muli %arg0, %mul3A : i32
    %add3A = arith.addi %mul3A_0, %arg1 : i32
    %mul3A_1 = arith.constant 640 : i32
    %mul3A_2 = arith.muli %arg1, %mul3A_1 : i32
    %dma_start3A = arith.constant 0 : i32
    %dma_start3A_3 = arith.constant 0 : i32
    %dma_start3A_4 = tpu.memref_slice %arg3[%add3A, %dma_start3A, %dma_start3A_3] : memref<32x81x128xi32, #tpu.memory_space<hbm>> -> memref<1x81x128xi32, #tpu.memory_space<hbm>>
    %dma_start3A_5 = tpu.memref_squeeze %dma_start3A_4 : memref<1x81x128xi32, #tpu.memory_space<hbm>> -> memref<81x128xi32, #tpu.memory_space<hbm>>
    %dma_start3A_6 = arith.constant 0 : i32
    %dma_start3A_7 = arith.constant 0 : i32
    %dma_start3A_8 = tpu.memref_slice %arg3[%add3A, %dma_start3A_6, %dma_start3A_7] : memref<32x81x128xi32, #tpu.memory_space<hbm>> -> memref<1x81x128xi32, #tpu.memory_space<hbm>>
    %dma_start3A_9 = tpu.memref_squeeze %dma_start3A_8 : memref<1x81x128xi32, #tpu.memory_space<hbm>> -> memref<81x128xi32, #tpu.memory_space<hbm>>
    tpu.enqueue_dma source(%dma_start3A_9 : memref<81x128xi32, #tpu.memory_space<hbm>>) target(%arg7 : memref<81x128xi32, #tpu.memory_space<vmem>>) target_semaphore(%arg12 : memref<!tpu.dma_semaphore, #tpu.memory_space<semaphore_mem>>)
    %dma_start3A_10 = arith.constant 0 : i32
    %dma_start3A_11 = arith.constant 0 : i32
    %dma_start3A_12 = tpu.memref_slice %arg4[%add3A, %dma_start3A_10, %dma_start3A_11] : memref<32x81x128xi32, #tpu.memory_space<hbm>> -> memref<1x81x128xi32, #tpu.memory_space<hbm>>
    %dma_start3A_13 = tpu.memref_squeeze %dma_start3A_12 : memref<1x81x128xi32, #tpu.memory_space<hbm>> -> memref<81x128xi32, #tpu.memory_space<hbm>>
    %dma_start3A_14 = arith.constant 0 : i32
    %dma_start3A_15 = arith.constant 0 : i32
    %dma_start3A_16 = tpu.memref_slice %arg4[%add3A, %dma_start3A_14, %dma_start3A_15] : memref<32x81x128xi32, #tpu.memory_space<hbm>> -> memref<1x81x128xi32, #tpu.memory_space<hbm>>
    %dma_start3A_17 = tpu.memref_squeeze %dma_start3A_16 : memref<1x81x128xi32, #tpu.memory_space<hbm>> -> memref<81x128xi32, #tpu.memory_space<hbm>>
    tpu.enqueue_dma source(%dma_start3A_17 : memref<81x128xi32, #tpu.memory_space<hbm>>) target(%arg8 : memref<81x128xi32, #tpu.memory_space<vmem>>) target_semaphore(%arg12 : memref<!tpu.dma_semaphore, #tpu.memory_space<semaphore_mem>>)
    %add3A_18 = arith.constant 0 : i32
    %add3A_19 = arith.addi %mul3A_2, %add3A_18 : i32
    %dma_start3A_20 = arith.constant 0 : i32
    %dma_start3A_21 = tpu.memref_slice %arg10[%add3A_19, %dma_start3A_20] : memref<10240x128xf32, #tpu.memory_space<vmem_shared>> -> memref<128x128xf32, #tpu.memory_space<vmem_shared>>
    tpu.enqueue_dma source(%arg5 : memref<128x128xf32, #tpu.memory_space<hbm>>) target(%dma_start3A_21 : memref<128x128xf32, #tpu.memory_space<vmem_shared>>) target_semaphore(%arg12 : memref<!tpu.dma_semaphore, #tpu.memory_space<semaphore_mem>>)
    %add3A_22 = arith.constant 128 : i32
    %add3A_23 = arith.addi %mul3A_2, %add3A_22 : i32
    %dma_start3A_24 = arith.constant 0 : i32
    %dma_start3A_25 = tpu.memref_slice %arg10[%add3A_23, %dma_start3A_24] : memref<10240x128xf32, #tpu.memory_space<vmem_shared>> -> memref<128x128xf32, #tpu.memory_space<vmem_shared>>
    tpu.enqueue_dma source(%arg5 : memref<128x128xf32, #tpu.memory_space<hbm>>) target(%dma_start3A_25 : memref<128x128xf32, #tpu.memory_space<vmem_shared>>) target_semaphore(%arg12 : memref<!tpu.dma_semaphore, #tpu.memory_space<semaphore_mem>>)
    %add3A_26 = arith.constant 256 : i32
    %add3A_27 = arith.addi %mul3A_2, %add3A_26 : i32
    %dma_start3A_28 = arith.constant 0 : i32
    %dma_start3A_29 = tpu.memref_slice %arg10[%add3A_27, %dma_start3A_28] : memref<10240x128xf32, #tpu.memory_space<vmem_shared>> -> memref<128x128xf32, #tpu.memory_space<vmem_shared>>
    tpu.enqueue_dma source(%arg5 : memref<128x128xf32, #tpu.memory_space<hbm>>) target(%dma_start3A_29 : memref<128x128xf32, #tpu.memory_space<vmem_shared>>) target_semaphore(%arg12 : memref<!tpu.dma_semaphore, #tpu.memory_space<semaphore_mem>>)
    %add3A_30 = arith.constant 384 : i32
    %add3A_31 = arith.addi %mul3A_2, %add3A_30 : i32
    %dma_start3A_32 = arith.constant 0 : i32
    %dma_start3A_33 = tpu.memref_slice %arg10[%add3A_31, %dma_start3A_32] : memref<10240x128xf32, #tpu.memory_space<vmem_shared>> -> memref<128x128xf32, #tpu.memory_space<vmem_shared>>
    tpu.enqueue_dma source(%arg5 : memref<128x128xf32, #tpu.memory_space<hbm>>) target(%dma_start3A_33 : memref<128x128xf32, #tpu.memory_space<vmem_shared>>) target_semaphore(%arg12 : memref<!tpu.dma_semaphore, #tpu.memory_space<semaphore_mem>>)
    %add3A_34 = arith.constant 512 : i32
    %add3A_35 = arith.addi %mul3A_2, %add3A_34 : i32
    %dma_start3A_36 = arith.constant 0 : i32
    %dma_start3A_37 = tpu.memref_slice %arg10[%add3A_35, %dma_start3A_36] : memref<10240x128xf32, #tpu.memory_space<vmem_shared>> -> memref<128x128xf32, #tpu.memory_space<vmem_shared>>
    tpu.enqueue_dma source(%arg5 : memref<128x128xf32, #tpu.memory_space<hbm>>) target(%dma_start3A_37 : memref<128x128xf32, #tpu.memory_space<vmem_shared>>) target_semaphore(%arg12 : memref<!tpu.dma_semaphore, #tpu.memory_space<semaphore_mem>>)
    %dma_wait3A = arith.constant 0 : i32
    %dma_wait3A_38 = arith.constant 0 : i32
    %dma_wait3A_39 = tpu.memref_slice %arg3[%add3A, %dma_wait3A, %dma_wait3A_38] : memref<32x81x128xi32, #tpu.memory_space<hbm>> -> memref<1x81x128xi32, #tpu.memory_space<hbm>>
    %dma_wait3A_40 = tpu.memref_squeeze %dma_wait3A_39 : memref<1x81x128xi32, #tpu.memory_space<hbm>> -> memref<81x128xi32, #tpu.memory_space<hbm>>
    %dma_wait3A_41 = arith.constant 0 : i32
    %dma_wait3A_42 = arith.constant 0 : i32
    %dma_wait3A_43 = tpu.memref_slice %arg3[%add3A, %dma_wait3A_41, %dma_wait3A_42] : memref<32x81x128xi32, #tpu.memory_space<hbm>> -> memref<1x81x128xi32, #tpu.memory_space<hbm>>
    %dma_wait3A_44 = tpu.memref_squeeze %dma_wait3A_43 : memref<1x81x128xi32, #tpu.memory_space<hbm>> -> memref<81x128xi32, #tpu.memory_space<hbm>>
    tpu.wait_dma2 semaphore(%arg12 : memref<!tpu.dma_semaphore, #tpu.memory_space<semaphore_mem>>) src(%dma_wait3A_44 : memref<81x128xi32, #tpu.memory_space<hbm>>) dst(%arg7 : memref<81x128xi32, #tpu.memory_space<vmem>>)
    %dma_wait3A_45 = arith.constant 0 : i32
    %dma_wait3A_46 = arith.constant 0 : i32
    %dma_wait3A_47 = tpu.memref_slice %arg4[%add3A, %dma_wait3A_45, %dma_wait3A_46] : memref<32x81x128xi32, #tpu.memory_space<hbm>> -> memref<1x81x128xi32, #tpu.memory_space<hbm>>
    %dma_wait3A_48 = tpu.memref_squeeze %dma_wait3A_47 : memref<1x81x128xi32, #tpu.memory_space<hbm>> -> memref<81x128xi32, #tpu.memory_space<hbm>>
    %dma_wait3A_49 = arith.constant 0 : i32
    %dma_wait3A_50 = arith.constant 0 : i32
    %dma_wait3A_51 = tpu.memref_slice %arg4[%add3A, %dma_wait3A_49, %dma_wait3A_50] : memref<32x81x128xi32, #tpu.memory_space<hbm>> -> memref<1x81x128xi32, #tpu.memory_space<hbm>>
    %dma_wait3A_52 = tpu.memref_squeeze %dma_wait3A_51 : memref<1x81x128xi32, #tpu.memory_space<hbm>> -> memref<81x128xi32, #tpu.memory_space<hbm>>
    tpu.wait_dma2 semaphore(%arg12 : memref<!tpu.dma_semaphore, #tpu.memory_space<semaphore_mem>>) src(%dma_wait3A_52 : memref<81x128xi32, #tpu.memory_space<hbm>>) dst(%arg8 : memref<81x128xi32, #tpu.memory_space<vmem>>)
    %add3A_53 = arith.constant 0 : i32
    %add3A_54 = arith.addi %mul3A_2, %add3A_53 : i32
    %dma_wait3A_55 = arith.constant 0 : i32
    %dma_wait3A_56 = tpu.memref_slice %arg10[%add3A_54, %dma_wait3A_55] : memref<10240x128xf32, #tpu.memory_space<vmem_shared>> -> memref<128x128xf32, #tpu.memory_space<vmem_shared>>
    tpu.wait_dma2 semaphore(%arg12 : memref<!tpu.dma_semaphore, #tpu.memory_space<semaphore_mem>>) src(%arg5 : memref<128x128xf32, #tpu.memory_space<hbm>>) dst(%dma_wait3A_56 : memref<128x128xf32, #tpu.memory_space<vmem_shared>>)
    %add3A_57 = arith.constant 128 : i32
    %add3A_58 = arith.addi %mul3A_2, %add3A_57 : i32
    %dma_wait3A_59 = arith.constant 0 : i32
    %dma_wait3A_60 = tpu.memref_slice %arg10[%add3A_58, %dma_wait3A_59] : memref<10240x128xf32, #tpu.memory_space<vmem_shared>> -> memref<128x128xf32, #tpu.memory_space<vmem_shared>>
    tpu.wait_dma2 semaphore(%arg12 : memref<!tpu.dma_semaphore, #tpu.memory_space<semaphore_mem>>) src(%arg5 : memref<128x128xf32, #tpu.memory_space<hbm>>) dst(%dma_wait3A_60 : memref<128x128xf32, #tpu.memory_space<vmem_shared>>)
    %add3A_61 = arith.constant 256 : i32
    %add3A_62 = arith.addi %mul3A_2, %add3A_61 : i32
    %dma_wait3A_63 = arith.constant 0 : i32
    %dma_wait3A_64 = tpu.memref_slice %arg10[%add3A_62, %dma_wait3A_63] : memref<10240x128xf32, #tpu.memory_space<vmem_shared>> -> memref<128x128xf32, #tpu.memory_space<vmem_shared>>
    tpu.wait_dma2 semaphore(%arg12 : memref<!tpu.dma_semaphore, #tpu.memory_space<semaphore_mem>>) src(%arg5 : memref<128x128xf32, #tpu.memory_space<hbm>>) dst(%dma_wait3A_64 : memref<128x128xf32, #tpu.memory_space<vmem_shared>>)
    %add3A_65 = arith.constant 384 : i32
    %add3A_66 = arith.addi %mul3A_2, %add3A_65 : i32
    %dma_wait3A_67 = arith.constant 0 : i32
    %dma_wait3A_68 = tpu.memref_slice %arg10[%add3A_66, %dma_wait3A_67] : memref<10240x128xf32, #tpu.memory_space<vmem_shared>> -> memref<128x128xf32, #tpu.memory_space<vmem_shared>>
    tpu.wait_dma2 semaphore(%arg12 : memref<!tpu.dma_semaphore, #tpu.memory_space<semaphore_mem>>) src(%arg5 : memref<128x128xf32, #tpu.memory_space<hbm>>) dst(%dma_wait3A_68 : memref<128x128xf32, #tpu.memory_space<vmem_shared>>)
    %add3A_69 = arith.constant 512 : i32
    %add3A_70 = arith.addi %mul3A_2, %add3A_69 : i32
    %dma_wait3A_71 = arith.constant 0 : i32
    %dma_wait3A_72 = tpu.memref_slice %arg10[%add3A_70, %dma_wait3A_71] : memref<10240x128xf32, #tpu.memory_space<vmem_shared>> -> memref<128x128xf32, #tpu.memory_space<vmem_shared>>
    tpu.wait_dma2 semaphore(%arg12 : memref<!tpu.dma_semaphore, #tpu.memory_space<semaphore_mem>>) src(%arg5 : memref<128x128xf32, #tpu.memory_space<hbm>>) dst(%dma_wait3A_72 : memref<128x128xf32, #tpu.memory_space<vmem_shared>>)
    %barrier3A = arith.constant 0 : index
    tpu.barrier barrier_id(%barrier3A)
    %scan3A = arith.constant 0 : i32
    %scan3A_73 = arith.constant 0 : i32
    %scan3A_74 = arith.constant 81 : i32
    %scan3A_75 = arith.addi %scan3A_73, %scan3A_74 : i32
    %scan3A_76 = arith.constant 1 : i32
    scf.for %scan3A_79 = %scan3A_73 to %scan3A_75 step %scan3A_76  : i32 {
      %dma_start3A_80 = arith.constant 0 : i32
      %dma_start3A_81 = tpu.memref_slice %arg7[%scan3A_79, %dma_start3A_80] : memref<81x128xi32, #tpu.memory_space<vmem>> -> memref<1x128xi32, #tpu.memory_space<vmem>>
      %dma_start3A_82 = tpu.memref_squeeze %dma_start3A_81 : memref<1x128xi32, #tpu.memory_space<vmem>> -> memref<128xi32, #tpu.memory_space<vmem>>
      %dma_start3A_83 = arith.constant 0 : i32
      %dma_start3A_84 = arith.constant 0 : i32
      %dma_start3A_85 = tpu.memref_slice %arg2[%dma_start3A_83, %dma_start3A_84] : memref<10240x128xf32, #tpu.memory_space<hbm>> -> memref<10240x128xf32, #tpu.memory_space<hbm>>
      tpu.enqueue_indirect_dma source(%dma_start3A_85 : memref<10240x128xf32, #tpu.memory_space<hbm>>) target(%arg9 : memref<128x128xf32, #tpu.memory_space<vmem>>) offsets(%dma_start3A_82 : memref<128xi32, #tpu.memory_space<vmem>>) semaphore(%arg11 : memref<!tpu.dma_semaphore, #tpu.memory_space<semaphore_mem>>)
      %dma_wait3A_86 = arith.constant 0 : i32
      %dma_wait3A_87 = tpu.memref_slice %arg7[%scan3A_79, %dma_wait3A_86] : memref<81x128xi32, #tpu.memory_space<vmem>> -> memref<1x128xi32, #tpu.memory_space<vmem>>
      %dma_wait3A_88 = tpu.memref_squeeze %dma_wait3A_87 : memref<1x128xi32, #tpu.memory_space<vmem>> -> memref<128xi32, #tpu.memory_space<vmem>>
      %dma_wait3A_89 = arith.constant 0 : i32
      %dma_wait3A_90 = arith.constant 0 : i32
      %dma_wait3A_91 = tpu.memref_slice %arg2[%dma_wait3A_89, %dma_wait3A_90] : memref<10240x128xf32, #tpu.memory_space<hbm>> -> memref<10240x128xf32, #tpu.memory_space<hbm>>
      tpu.wait_indirect_dma semaphore(%arg11 : memref<!tpu.dma_semaphore, #tpu.memory_space<semaphore_mem>>) src(%dma_wait3A_91 : memref<10240x128xf32, #tpu.memory_space<hbm>>) dst(%arg9 : memref<128x128xf32, #tpu.memory_space<vmem>>)
      "tpu.region"() ({
        %run_scoped3A = tpu.sem_alloc : memref<!tpu.dma_semaphore, #tpu.memory_space<semaphore_mem>>
        %dma_start3A_92 = arith.constant 0 : i32
        %dma_start3A_93 = tpu.memref_slice %arg8[%scan3A_79, %dma_start3A_92] : memref<81x128xi32, #tpu.memory_space<vmem>> -> memref<1x128xi32, #tpu.memory_space<vmem>>
        %dma_start3A_94 = tpu.memref_squeeze %dma_start3A_93 : memref<1x128xi32, #tpu.memory_space<vmem>> -> memref<128xi32, #tpu.memory_space<vmem>>
        %dma_start3A_95 = arith.constant 0 : i32
        %dma_start3A_96 = arith.constant 0 : i32
        %dma_start3A_97 = tpu.memref_slice %arg10[%dma_start3A_95, %dma_start3A_96] : memref<10240x128xf32, #tpu.memory_space<vmem_shared>> -> memref<10240x128xf32, #tpu.memory_space<vmem_shared>>
        tpu.enqueue_indirect_dma source(%arg9 : memref<128x128xf32, #tpu.memory_space<vmem>>) target(%dma_start3A_97 : memref<10240x128xf32, #tpu.memory_space<vmem_shared>>) offsets(%dma_start3A_94 : memref<128xi32, #tpu.memory_space<vmem>>) semaphore(%run_scoped3A : memref<!tpu.dma_semaphore, #tpu.memory_space<semaphore_mem>>) {add = true}
        %dma_wait3A_98 = arith.constant 0 : i32
        %dma_wait3A_99 = tpu.memref_slice %arg8[%scan3A_79, %dma_wait3A_98] : memref<81x128xi32, #tpu.memory_space<vmem>> -> memref<1x128xi32, #tpu.memory_space<vmem>>
        %dma_wait3A_100 = tpu.memref_squeeze %dma_wait3A_99 : memref<1x128xi32, #tpu.memory_space<vmem>> -> memref<128xi32, #tpu.memory_space<vmem>>
        %dma_wait3A_101 = arith.constant 0 : i32
        %dma_wait3A_102 = arith.constant 0 : i32
        %dma_wait3A_103 = tpu.memref_slice %arg10[%dma_wait3A_101, %dma_wait3A_102] : memref<10240x128xf32, #tpu.memory_space<vmem_shared>> -> memref<10240x128xf32, #tpu.memory_space<vmem_shared>>
        tpu.wait_indirect_dma semaphore(%run_scoped3A : memref<!tpu.dma_semaphore, #tpu.memory_space<semaphore_mem>>) src(%arg9 : memref<128x128xf32, #tpu.memory_space<vmem>>) dst(%dma_wait3A_103 : memref<10240x128xf32, #tpu.memory_space<vmem_shared>>)
        tpu.yield
      }) : () -> ()
    }
    %scan3A_77 = arith.constant 81 : i32
    %barrier3A_78 = arith.constant 0 : index
    tpu.barrier barrier_id(%barrier3A_78)
    "tpu.region"() ({
      %run_scoped3A = tpu.sem_alloc : memref<!tpu.dma_semaphore, #tpu.memory_space<semaphore_mem>>
      %dma_start3A_79 = arith.constant 0 : i32
      %dma_start3A_80 = tpu.memref_slice %arg6[%arg0, %mul3A_2, %dma_start3A_79] : memref<2x10240x128xf32, #tpu.memory_space<hbm>> -> memref<1x640x128xf32, #tpu.memory_space<hbm>>
      %dma_start3A_81 = tpu.memref_squeeze %dma_start3A_80 : memref<1x640x128xf32, #tpu.memory_space<hbm>> -> memref<640x128xf32, #tpu.memory_space<hbm>>
      %dma_start3A_82 = arith.constant 0 : i32
      %dma_start3A_83 = tpu.memref_slice %arg10[%mul3A_2, %dma_start3A_82] : memref<10240x128xf32, #tpu.memory_space<vmem_shared>> -> memref<640x128xf32, #tpu.memory_space<vmem_shared>>
      tpu.enqueue_dma source(%dma_start3A_83 : memref<640x128xf32, #tpu.memory_space<vmem_shared>>) target(%dma_start3A_81 : memref<640x128xf32, #tpu.memory_space<hbm>>) target_semaphore(%run_scoped3A : memref<!tpu.dma_semaphore, #tpu.memory_space<semaphore_mem>>)
      %dma_wait3A_84 = arith.constant 0 : i32
      %dma_wait3A_85 = tpu.memref_slice %arg6[%arg0, %mul3A_2, %dma_wait3A_84] : memref<2x10240x128xf32, #tpu.memory_space<hbm>> -> memref<1x640x128xf32, #tpu.memory_space<hbm>>
      %dma_wait3A_86 = tpu.memref_squeeze %dma_wait3A_85 : memref<1x640x128xf32, #tpu.memory_space<hbm>> -> memref<640x128xf32, #tpu.memory_space<hbm>>
      %dma_wait3A_87 = arith.constant 0 : i32
      %dma_wait3A_88 = tpu.memref_slice %arg10[%mul3A_2, %dma_wait3A_87] : memref<10240x128xf32, #tpu.memory_space<vmem_shared>> -> memref<640x128xf32, #tpu.memory_space<vmem_shared>>
      tpu.wait_dma2 semaphore(%run_scoped3A : memref<!tpu.dma_semaphore, #tpu.memory_space<semaphore_mem>>) src(%dma_wait3A_88 : memref<640x128xf32, #tpu.memory_space<vmem_shared>>) dst(%dma_wait3A_86 : memref<640x128xf32, #tpu.memory_space<hbm>>)
      tpu.yield
    }) : () -> ()
    return
  }
}

#map = affine_map<(d0, d1) -> (0, 0)>
#map1 = affine_map<(d0, d1) -> (0, 0, 0)>
module attributes {stable_mosaic.version = 14 : i64} {
  func.func @prop(%arg0: i32, %arg1: i32, %arg2: memref<10240x128xf32, #tpu.memory_space<hbm>>, %arg3: memref<32x81x128xi32, #tpu.memory_space<hbm>>, %arg4: memref<32x81x128xi32, #tpu.memory_space<hbm>>, %arg5: memref<128x128xf32, #tpu.memory_space<hbm>>, %arg6: memref<2x10240x128xf32, #tpu.memory_space<hbm>>, %arg7: memref<81x128xi32, #tpu.memory_space<vmem>>, %arg8: memref<81x128xi32, #tpu.memory_space<vmem>>, %arg9: memref<128x128xf32, #tpu.memory_space<vmem>>, %arg10: memref<10240x128xf32, #tpu.memory_space<vmem_shared>>, %arg11: memref<!tpu.dma_semaphore, #tpu.memory_space<semaphore_mem>>, %arg12: memref<!tpu.dma_semaphore, #tpu.memory_space<semaphore_mem>>) attributes {dimension_semantics = [#tpu.dimension_semantics<core_parallel>, #tpu.dimension_semantics<subcore_parallel>], iteration_bounds = array<i64: 2, 16>, scalar_prefetch = 0 : i64, scratch_operands = 6 : i64, tpu.core_type = #tpu.core_type<sc_vector_subcore>, window_params = [{transform_indices = #map}, {transform_indices = #map1}, {transform_indices = #map1}, {transform_indices = #map}, {transform_indices = #map1}]} {
    %mul3A = arith.constant 16 : i32
    %mul3A_0 = arith.muli %arg0, %mul3A : i32
    %add3A = arith.addi %mul3A_0, %arg1 : i32
    %mul3A_1 = arith.constant 640 : i32
    %mul3A_2 = arith.muli %arg1, %mul3A_1 : i32
    %dma_start3A = arith.constant 0 : i32
    %dma_start3A_3 = arith.constant 0 : i32
    %dma_start3A_4 = tpu.memref_slice %arg3[%add3A, %dma_start3A, %dma_start3A_3] : memref<32x81x128xi32, #tpu.memory_space<hbm>> -> memref<1x81x128xi32, #tpu.memory_space<hbm>>
    %dma_start3A_5 = tpu.memref_squeeze %dma_start3A_4 : memref<1x81x128xi32, #tpu.memory_space<hbm>> -> memref<81x128xi32, #tpu.memory_space<hbm>>
    %dma_start3A_6 = arith.constant 0 : i32
    %dma_start3A_7 = arith.constant 0 : i32
    %dma_start3A_8 = tpu.memref_slice %arg3[%add3A, %dma_start3A_6, %dma_start3A_7] : memref<32x81x128xi32, #tpu.memory_space<hbm>> -> memref<1x81x128xi32, #tpu.memory_space<hbm>>
    %dma_start3A_9 = tpu.memref_squeeze %dma_start3A_8 : memref<1x81x128xi32, #tpu.memory_space<hbm>> -> memref<81x128xi32, #tpu.memory_space<hbm>>
    tpu.enqueue_dma source(%dma_start3A_9 : memref<81x128xi32, #tpu.memory_space<hbm>>) target(%arg7 : memref<81x128xi32, #tpu.memory_space<vmem>>) target_semaphore(%arg12 : memref<!tpu.dma_semaphore, #tpu.memory_space<semaphore_mem>>)
    %dma_start3A_10 = arith.constant 0 : i32
    %dma_start3A_11 = arith.constant 0 : i32
    %dma_start3A_12 = tpu.memref_slice %arg4[%add3A, %dma_start3A_10, %dma_start3A_11] : memref<32x81x128xi32, #tpu.memory_space<hbm>> -> memref<1x81x128xi32, #tpu.memory_space<hbm>>
    %dma_start3A_13 = tpu.memref_squeeze %dma_start3A_12 : memref<1x81x128xi32, #tpu.memory_space<hbm>> -> memref<81x128xi32, #tpu.memory_space<hbm>>
    %dma_start3A_14 = arith.constant 0 : i32
    %dma_start3A_15 = arith.constant 0 : i32
    %dma_start3A_16 = tpu.memref_slice %arg4[%add3A, %dma_start3A_14, %dma_start3A_15] : memref<32x81x128xi32, #tpu.memory_space<hbm>> -> memref<1x81x128xi32, #tpu.memory_space<hbm>>
    %dma_start3A_17 = tpu.memref_squeeze %dma_start3A_16 : memref<1x81x128xi32, #tpu.memory_space<hbm>> -> memref<81x128xi32, #tpu.memory_space<hbm>>
    tpu.enqueue_dma source(%dma_start3A_17 : memref<81x128xi32, #tpu.memory_space<hbm>>) target(%arg8 : memref<81x128xi32, #tpu.memory_space<vmem>>) target_semaphore(%arg12 : memref<!tpu.dma_semaphore, #tpu.memory_space<semaphore_mem>>)
    %add3A_18 = arith.constant 0 : i32
    %add3A_19 = arith.addi %mul3A_2, %add3A_18 : i32
    %dma_start3A_20 = arith.constant 0 : i32
    %dma_start3A_21 = tpu.memref_slice %arg10[%add3A_19, %dma_start3A_20] : memref<10240x128xf32, #tpu.memory_space<vmem_shared>> -> memref<128x128xf32, #tpu.memory_space<vmem_shared>>
    tpu.enqueue_dma source(%arg5 : memref<128x128xf32, #tpu.memory_space<hbm>>) target(%dma_start3A_21 : memref<128x128xf32, #tpu.memory_space<vmem_shared>>) target_semaphore(%arg12 : memref<!tpu.dma_semaphore, #tpu.memory_space<semaphore_mem>>)
    %add3A_22 = arith.constant 128 : i32
    %add3A_23 = arith.addi %mul3A_2, %add3A_22 : i32
    %dma_start3A_24 = arith.constant 0 : i32
    %dma_start3A_25 = tpu.memref_slice %arg10[%add3A_23, %dma_start3A_24] : memref<10240x128xf32, #tpu.memory_space<vmem_shared>> -> memref<128x128xf32, #tpu.memory_space<vmem_shared>>
    tpu.enqueue_dma source(%arg5 : memref<128x128xf32, #tpu.memory_space<hbm>>) target(%dma_start3A_25 : memref<128x128xf32, #tpu.memory_space<vmem_shared>>) target_semaphore(%arg12 : memref<!tpu.dma_semaphore, #tpu.memory_space<semaphore_mem>>)
    %add3A_26 = arith.constant 256 : i32
    %add3A_27 = arith.addi %mul3A_2, %add3A_26 : i32
    %dma_start3A_28 = arith.constant 0 : i32
    %dma_start3A_29 = tpu.memref_slice %arg10[%add3A_27, %dma_start3A_28] : memref<10240x128xf32, #tpu.memory_space<vmem_shared>> -> memref<128x128xf32, #tpu.memory_space<vmem_shared>>
    tpu.enqueue_dma source(%arg5 : memref<128x128xf32, #tpu.memory_space<hbm>>) target(%dma_start3A_29 : memref<128x128xf32, #tpu.memory_space<vmem_shared>>) target_semaphore(%arg12 : memref<!tpu.dma_semaphore, #tpu.memory_space<semaphore_mem>>)
    %add3A_30 = arith.constant 384 : i32
    %add3A_31 = arith.addi %mul3A_2, %add3A_30 : i32
    %dma_start3A_32 = arith.constant 0 : i32
    %dma_start3A_33 = tpu.memref_slice %arg10[%add3A_31, %dma_start3A_32] : memref<10240x128xf32, #tpu.memory_space<vmem_shared>> -> memref<128x128xf32, #tpu.memory_space<vmem_shared>>
    tpu.enqueue_dma source(%arg5 : memref<128x128xf32, #tpu.memory_space<hbm>>) target(%dma_start3A_33 : memref<128x128xf32, #tpu.memory_space<vmem_shared>>) target_semaphore(%arg12 : memref<!tpu.dma_semaphore, #tpu.memory_space<semaphore_mem>>)
    %add3A_34 = arith.constant 512 : i32
    %add3A_35 = arith.addi %mul3A_2, %add3A_34 : i32
    %dma_start3A_36 = arith.constant 0 : i32
    %dma_start3A_37 = tpu.memref_slice %arg10[%add3A_35, %dma_start3A_36] : memref<10240x128xf32, #tpu.memory_space<vmem_shared>> -> memref<128x128xf32, #tpu.memory_space<vmem_shared>>
    tpu.enqueue_dma source(%arg5 : memref<128x128xf32, #tpu.memory_space<hbm>>) target(%dma_start3A_37 : memref<128x128xf32, #tpu.memory_space<vmem_shared>>) target_semaphore(%arg12 : memref<!tpu.dma_semaphore, #tpu.memory_space<semaphore_mem>>)
    %dma_wait3A = arith.constant 0 : i32
    %dma_wait3A_38 = arith.constant 0 : i32
    %dma_wait3A_39 = tpu.memref_slice %arg3[%add3A, %dma_wait3A, %dma_wait3A_38] : memref<32x81x128xi32, #tpu.memory_space<hbm>> -> memref<1x81x128xi32, #tpu.memory_space<hbm>>
    %dma_wait3A_40 = tpu.memref_squeeze %dma_wait3A_39 : memref<1x81x128xi32, #tpu.memory_space<hbm>> -> memref<81x128xi32, #tpu.memory_space<hbm>>
    %dma_wait3A_41 = arith.constant 0 : i32
    %dma_wait3A_42 = arith.constant 0 : i32
    %dma_wait3A_43 = tpu.memref_slice %arg3[%add3A, %dma_wait3A_41, %dma_wait3A_42] : memref<32x81x128xi32, #tpu.memory_space<hbm>> -> memref<1x81x128xi32, #tpu.memory_space<hbm>>
    %dma_wait3A_44 = tpu.memref_squeeze %dma_wait3A_43 : memref<1x81x128xi32, #tpu.memory_space<hbm>> -> memref<81x128xi32, #tpu.memory_space<hbm>>
    tpu.wait_dma2 semaphore(%arg12 : memref<!tpu.dma_semaphore, #tpu.memory_space<semaphore_mem>>) src(%dma_wait3A_44 : memref<81x128xi32, #tpu.memory_space<hbm>>) dst(%arg7 : memref<81x128xi32, #tpu.memory_space<vmem>>)
    %dma_wait3A_45 = arith.constant 0 : i32
    %dma_wait3A_46 = arith.constant 0 : i32
    %dma_wait3A_47 = tpu.memref_slice %arg4[%add3A, %dma_wait3A_45, %dma_wait3A_46] : memref<32x81x128xi32, #tpu.memory_space<hbm>> -> memref<1x81x128xi32, #tpu.memory_space<hbm>>
    %dma_wait3A_48 = tpu.memref_squeeze %dma_wait3A_47 : memref<1x81x128xi32, #tpu.memory_space<hbm>> -> memref<81x128xi32, #tpu.memory_space<hbm>>
    %dma_wait3A_49 = arith.constant 0 : i32
    %dma_wait3A_50 = arith.constant 0 : i32
    %dma_wait3A_51 = tpu.memref_slice %arg4[%add3A, %dma_wait3A_49, %dma_wait3A_50] : memref<32x81x128xi32, #tpu.memory_space<hbm>> -> memref<1x81x128xi32, #tpu.memory_space<hbm>>
    %dma_wait3A_52 = tpu.memref_squeeze %dma_wait3A_51 : memref<1x81x128xi32, #tpu.memory_space<hbm>> -> memref<81x128xi32, #tpu.memory_space<hbm>>
    tpu.wait_dma2 semaphore(%arg12 : memref<!tpu.dma_semaphore, #tpu.memory_space<semaphore_mem>>) src(%dma_wait3A_52 : memref<81x128xi32, #tpu.memory_space<hbm>>) dst(%arg8 : memref<81x128xi32, #tpu.memory_space<vmem>>)
    %add3A_53 = arith.constant 0 : i32
    %add3A_54 = arith.addi %mul3A_2, %add3A_53 : i32
    %dma_wait3A_55 = arith.constant 0 : i32
    %dma_wait3A_56 = tpu.memref_slice %arg10[%add3A_54, %dma_wait3A_55] : memref<10240x128xf32, #tpu.memory_space<vmem_shared>> -> memref<128x128xf32, #tpu.memory_space<vmem_shared>>
    tpu.wait_dma2 semaphore(%arg12 : memref<!tpu.dma_semaphore, #tpu.memory_space<semaphore_mem>>) src(%arg5 : memref<128x128xf32, #tpu.memory_space<hbm>>) dst(%dma_wait3A_56 : memref<128x128xf32, #tpu.memory_space<vmem_shared>>)
    %add3A_57 = arith.constant 128 : i32
    %add3A_58 = arith.addi %mul3A_2, %add3A_57 : i32
    %dma_wait3A_59 = arith.constant 0 : i32
    %dma_wait3A_60 = tpu.memref_slice %arg10[%add3A_58, %dma_wait3A_59] : memref<10240x128xf32, #tpu.memory_space<vmem_shared>> -> memref<128x128xf32, #tpu.memory_space<vmem_shared>>
    tpu.wait_dma2 semaphore(%arg12 : memref<!tpu.dma_semaphore, #tpu.memory_space<semaphore_mem>>) src(%arg5 : memref<128x128xf32, #tpu.memory_space<hbm>>) dst(%dma_wait3A_60 : memref<128x128xf32, #tpu.memory_space<vmem_shared>>)
    %add3A_61 = arith.constant 256 : i32
    %add3A_62 = arith.addi %mul3A_2, %add3A_61 : i32
    %dma_wait3A_63 = arith.constant 0 : i32
    %dma_wait3A_64 = tpu.memref_slice %arg10[%add3A_62, %dma_wait3A_63] : memref<10240x128xf32, #tpu.memory_space<vmem_shared>> -> memref<128x128xf32, #tpu.memory_space<vmem_shared>>
    tpu.wait_dma2 semaphore(%arg12 : memref<!tpu.dma_semaphore, #tpu.memory_space<semaphore_mem>>) src(%arg5 : memref<128x128xf32, #tpu.memory_space<hbm>>) dst(%dma_wait3A_64 : memref<128x128xf32, #tpu.memory_space<vmem_shared>>)
    %add3A_65 = arith.constant 384 : i32
    %add3A_66 = arith.addi %mul3A_2, %add3A_65 : i32
    %dma_wait3A_67 = arith.constant 0 : i32
    %dma_wait3A_68 = tpu.memref_slice %arg10[%add3A_66, %dma_wait3A_67] : memref<10240x128xf32, #tpu.memory_space<vmem_shared>> -> memref<128x128xf32, #tpu.memory_space<vmem_shared>>
    tpu.wait_dma2 semaphore(%arg12 : memref<!tpu.dma_semaphore, #tpu.memory_space<semaphore_mem>>) src(%arg5 : memref<128x128xf32, #tpu.memory_space<hbm>>) dst(%dma_wait3A_68 : memref<128x128xf32, #tpu.memory_space<vmem_shared>>)
    %add3A_69 = arith.constant 512 : i32
    %add3A_70 = arith.addi %mul3A_2, %add3A_69 : i32
    %dma_wait3A_71 = arith.constant 0 : i32
    %dma_wait3A_72 = tpu.memref_slice %arg10[%add3A_70, %dma_wait3A_71] : memref<10240x128xf32, #tpu.memory_space<vmem_shared>> -> memref<128x128xf32, #tpu.memory_space<vmem_shared>>
    tpu.wait_dma2 semaphore(%arg12 : memref<!tpu.dma_semaphore, #tpu.memory_space<semaphore_mem>>) src(%arg5 : memref<128x128xf32, #tpu.memory_space<hbm>>) dst(%dma_wait3A_72 : memref<128x128xf32, #tpu.memory_space<vmem_shared>>)
    %barrier3A = arith.constant 0 : index
    tpu.barrier barrier_id(%barrier3A)
    %scan3A = arith.constant 0 : i32
    %scan3A_73 = arith.constant 0 : i32
    %scan3A_74 = arith.constant 81 : i32
    %scan3A_75 = arith.addi %scan3A_73, %scan3A_74 : i32
    %scan3A_76 = arith.constant 1 : i32
    scf.for %scan3A_79 = %scan3A_73 to %scan3A_75 step %scan3A_76  : i32 {
      %dma_start3A_80 = arith.constant 0 : i32
      %dma_start3A_81 = tpu.memref_slice %arg7[%scan3A_79, %dma_start3A_80] : memref<81x128xi32, #tpu.memory_space<vmem>> -> memref<1x128xi32, #tpu.memory_space<vmem>>
      %dma_start3A_82 = tpu.memref_squeeze %dma_start3A_81 : memref<1x128xi32, #tpu.memory_space<vmem>> -> memref<128xi32, #tpu.memory_space<vmem>>
      %dma_start3A_83 = arith.constant 0 : i32
      %dma_start3A_84 = arith.constant 0 : i32
      %dma_start3A_85 = tpu.memref_slice %arg2[%dma_start3A_83, %dma_start3A_84] : memref<10240x128xf32, #tpu.memory_space<hbm>> -> memref<10240x128xf32, #tpu.memory_space<hbm>>
      tpu.enqueue_indirect_dma source(%dma_start3A_85 : memref<10240x128xf32, #tpu.memory_space<hbm>>) target(%arg9 : memref<128x128xf32, #tpu.memory_space<vmem>>) offsets(%dma_start3A_82 : memref<128xi32, #tpu.memory_space<vmem>>) semaphore(%arg11 : memref<!tpu.dma_semaphore, #tpu.memory_space<semaphore_mem>>)
      %dma_wait3A_86 = arith.constant 0 : i32
      %dma_wait3A_87 = tpu.memref_slice %arg7[%scan3A_79, %dma_wait3A_86] : memref<81x128xi32, #tpu.memory_space<vmem>> -> memref<1x128xi32, #tpu.memory_space<vmem>>
      %dma_wait3A_88 = tpu.memref_squeeze %dma_wait3A_87 : memref<1x128xi32, #tpu.memory_space<vmem>> -> memref<128xi32, #tpu.memory_space<vmem>>
      %dma_wait3A_89 = arith.constant 0 : i32
      %dma_wait3A_90 = arith.constant 0 : i32
      %dma_wait3A_91 = tpu.memref_slice %arg2[%dma_wait3A_89, %dma_wait3A_90] : memref<10240x128xf32, #tpu.memory_space<hbm>> -> memref<10240x128xf32, #tpu.memory_space<hbm>>
      tpu.wait_indirect_dma semaphore(%arg11 : memref<!tpu.dma_semaphore, #tpu.memory_space<semaphore_mem>>) src(%dma_wait3A_91 : memref<10240x128xf32, #tpu.memory_space<hbm>>) dst(%arg9 : memref<128x128xf32, #tpu.memory_space<vmem>>)
      "tpu.region"() ({
        %run_scoped3A = tpu.sem_alloc : memref<!tpu.dma_semaphore, #tpu.memory_space<semaphore_mem>>
        %dma_start3A_92 = arith.constant 0 : i32
        %dma_start3A_93 = tpu.memref_slice %arg8[%scan3A_79, %dma_start3A_92] : memref<81x128xi32, #tpu.memory_space<vmem>> -> memref<1x128xi32, #tpu.memory_space<vmem>>
        %dma_start3A_94 = tpu.memref_squeeze %dma_start3A_93 : memref<1x128xi32, #tpu.memory_space<vmem>> -> memref<128xi32, #tpu.memory_space<vmem>>
        %dma_start3A_95 = arith.constant 0 : i32
        %dma_start3A_96 = arith.constant 0 : i32
        %dma_start3A_97 = tpu.memref_slice %arg10[%dma_start3A_95, %dma_start3A_96] : memref<10240x128xf32, #tpu.memory_space<vmem_shared>> -> memref<10240x128xf32, #tpu.memory_space<vmem_shared>>
        tpu.enqueue_indirect_dma source(%arg9 : memref<128x128xf32, #tpu.memory_space<vmem>>) target(%dma_start3A_97 : memref<10240x128xf32, #tpu.memory_space<vmem_shared>>) offsets(%dma_start3A_94 : memref<128xi32, #tpu.memory_space<vmem>>) semaphore(%run_scoped3A : memref<!tpu.dma_semaphore, #tpu.memory_space<semaphore_mem>>) {add = true}
        %dma_wait3A_98 = arith.constant 0 : i32
        %dma_wait3A_99 = tpu.memref_slice %arg8[%scan3A_79, %dma_wait3A_98] : memref<81x128xi32, #tpu.memory_space<vmem>> -> memref<1x128xi32, #tpu.memory_space<vmem>>
        %dma_wait3A_100 = tpu.memref_squeeze %dma_wait3A_99 : memref<1x128xi32, #tpu.memory_space<vmem>> -> memref<128xi32, #tpu.memory_space<vmem>>
        %dma_wait3A_101 = arith.constant 0 : i32
        %dma_wait3A_102 = arith.constant 0 : i32
        %dma_wait3A_103 = tpu.memref_slice %arg10[%dma_wait3A_101, %dma_wait3A_102] : memref<10240x128xf32, #tpu.memory_space<vmem_shared>> -> memref<10240x128xf32, #tpu.memory_space<vmem_shared>>
        tpu.wait_indirect_dma semaphore(%run_scoped3A : memref<!tpu.dma_semaphore, #tpu.memory_space<semaphore_mem>>) src(%arg9 : memref<128x128xf32, #tpu.memory_space<vmem>>) dst(%dma_wait3A_103 : memref<10240x128xf32, #tpu.memory_space<vmem_shared>>)
        tpu.yield
      }) : () -> ()
    }
    %scan3A_77 = arith.constant 81 : i32
    %barrier3A_78 = arith.constant 0 : index
    tpu.barrier barrier_id(%barrier3A_78)
    "tpu.region"() ({
      %run_scoped3A = tpu.sem_alloc : memref<!tpu.dma_semaphore, #tpu.memory_space<semaphore_mem>>
      %dma_start3A_79 = arith.constant 0 : i32
      %dma_start3A_80 = tpu.memref_slice %arg6[%arg0, %mul3A_2, %dma_start3A_79] : memref<2x10240x128xf32, #tpu.memory_space<hbm>> -> memref<1x640x128xf32, #tpu.memory_space<hbm>>
      %dma_start3A_81 = tpu.memref_squeeze %dma_start3A_80 : memref<1x640x128xf32, #tpu.memory_space<hbm>> -> memref<640x128xf32, #tpu.memory_space<hbm>>
      %dma_start3A_82 = arith.constant 0 : i32
      %dma_start3A_83 = tpu.memref_slice %arg10[%mul3A_2, %dma_start3A_82] : memref<10240x128xf32, #tpu.memory_space<vmem_shared>> -> memref<640x128xf32, #tpu.memory_space<vmem_shared>>
      tpu.enqueue_dma source(%dma_start3A_83 : memref<640x128xf32, #tpu.memory_space<vmem_shared>>) target(%dma_start3A_81 : memref<640x128xf32, #tpu.memory_space<hbm>>) target_semaphore(%run_scoped3A : memref<!tpu.dma_semaphore, #tpu.memory_space<semaphore_mem>>)
      %dma_wait3A_84 = arith.constant 0 : i32
      %dma_wait3A_85 = tpu.memref_slice %arg6[%arg0, %mul3A_2, %dma_wait3A_84] : memref<2x10240x128xf32, #tpu.memory_space<hbm>> -> memref<1x640x128xf32, #tpu.memory_space<hbm>>
      %dma_wait3A_86 = tpu.memref_squeeze %dma_wait3A_85 : memref<1x640x128xf32, #tpu.memory_space<hbm>> -> memref<640x128xf32, #tpu.memory_space<hbm>>
      %dma_wait3A_87 = arith.constant 0 : i32
      %dma_wait3A_88 = tpu.memref_slice %arg10[%mul3A_2, %dma_wait3A_87] : memref<10240x128xf32, #tpu.memory_space<vmem_shared>> -> memref<640x128xf32, #tpu.memory_space<vmem_shared>>
      tpu.wait_dma2 semaphore(%run_scoped3A : memref<!tpu.dma_semaphore, #tpu.memory_space<semaphore_mem>>) src(%dma_wait3A_88 : memref<640x128xf32, #tpu.memory_space<vmem_shared>>) dst(%dma_wait3A_86 : memref<640x128xf32, #tpu.memory_space<hbm>>)
      tpu.yield
    }) : () -> ()
    return
  }
}

module attributes {stable_mosaic.version = 14 : i64} {
  func.func @_layer_body(%arg0: i32, %arg1: memref<2x256x128xf32, #tpu.memory_space<vmem>>, %arg2: memref<256x128xf32, #tpu.memory_space<vmem>>, %arg3: memref<128x128xf32, #tpu.memory_space<vmem>>, %arg4: memref<1x128xf32, #tpu.memory_space<vmem>>, %arg5: memref<256x128xf32, #tpu.memory_space<vmem>>) attributes {dimension_semantics = [#tpu.dimension_semantics<arbitrary>], iteration_bounds = array<i64: 40>, scalar_prefetch = 0 : i64, scratch_operands = 0 : i64, tpu.core_type = #tpu.core_type<tc>, window_params = [{transform_indices = @transform_0, window_bounds = array<i64: 2, 256, 128>}, {transform_indices = @transform_1, window_bounds = array<i64: 256, 128>}, {pipeline_mode = #tpu.pipeline_mode<synchronous>, transform_indices = @transform_2, window_bounds = array<i64: 128, 128>}, {pipeline_mode = #tpu.pipeline_mode<synchronous>, transform_indices = @transform_3, window_bounds = array<i64: 1, 128>}, {transform_indices = @transform_4, window_bounds = array<i64: 256, 128>}]} {
    %get3A = arith.constant 0 : index
    %get3A_0 = arith.constant 0 : index
    %get3A_1 = vector.load %arg2[%get3A, %get3A_0] : memref<256x128xf32, #tpu.memory_space<vmem>>, vector<256x128xf32>
    %get3A_2 = arith.constant 0 : index
    %get3A_3 = arith.constant 0 : index
    %get3A_4 = arith.constant 0 : index
    %get3A_5 = vector.load %arg1[%get3A_2, %get3A_3, %get3A_4] : memref<2x256x128xf32, #tpu.memory_space<vmem>>, vector<1x256x128xf32>
    %get3A_6 = vector.shape_cast %get3A_5 : vector<1x256x128xf32> to vector<256x128xf32>
    %get3A_7 = arith.constant 1 : index
    %get3A_8 = arith.constant 0 : index
    %get3A_9 = arith.constant 0 : index
    %get3A_10 = vector.load %arg1[%get3A_7, %get3A_8, %get3A_9] : memref<2x256x128xf32, #tpu.memory_space<vmem>>, vector<1x256x128xf32>
    %get3A_11 = vector.shape_cast %get3A_10 : vector<1x256x128xf32> to vector<256x128xf32>
    %add3A = arith.addf %get3A_6, %get3A_11 : vector<256x128xf32>
    %mul3A = arith.mulf %add3A, %get3A_1 : vector<256x128xf32>
    %get3A_12 = arith.constant 0 : index
    %get3A_13 = arith.constant 0 : index
    %get3A_14 = vector.load %arg3[%get3A_12, %get3A_13] : memref<128x128xf32, #tpu.memory_space<vmem>>, vector<128x128xf32>
    %dot_general3A = arith.constant dense<0.000000e+00> : vector<256x128xf32>
    %dot_general3A_15 = tpu.matmul %mul3A, %get3A_14, %dot_general3A {dimension_numbers = #tpu.dot_dimension_numbers<[1], [1], [0], [0], [0, 0, 1, 0], [], []>, transpose_lhs_hint = false} : vector<256x128xf32>, vector<128x128xf32>, vector<256x128xf32> -> vector<256x128xf32>
    %get3A_16 = arith.constant 0 : index
    %get3A_17 = arith.constant 0 : index
    %get3A_18 = vector.load %arg4[%get3A_16, %get3A_17] : memref<1x128xf32, #tpu.memory_space<vmem>>, vector<1x128xf32>
    %add3A_19 = vector.broadcast %get3A_18 : vector<1x128xf32> to vector<256x128xf32>
    %add3A_20 = arith.addf %dot_general3A_15, %add3A_19 : vector<256x128xf32>
    %max3A = arith.constant 0.000000e+00 : f32
    %max3A_21 = vector.broadcast %max3A : f32 to vector<256x128xf32>
    %max3A_22 = arith.maximumf %add3A_20, %max3A_21 : vector<256x128xf32>
    %mul3A_23 = arith.mulf %max3A_22, %get3A_1 : vector<256x128xf32>
    %swap3A = arith.constant 0 : index
    %swap3A_24 = arith.constant 0 : index
    %swap3A_25 = vector.load %arg5[%swap3A, %swap3A_24] : memref<256x128xf32, #tpu.memory_space<vmem>>, vector<256x128xf32>
    tpu.vector_store %arg5[%swap3A, %swap3A_24], %mul3A_23 {strides = array<i32>} : memref<256x128xf32, #tpu.memory_space<vmem>>, vector<256x128xf32>,
    return
  }
  func.func @transform_0(%arg0: i32) -> (i32, i32, i32) {
    %c0_i32 = arith.constant 0 : i32
    %c0_i32_0 = arith.constant 0 : i32
    %c0_i32_1 = arith.constant 0 : i32
    return %c0_i32, %arg0, %c0_i32_0 : i32, i32, i32
  }
  func.func @transform_1(%arg0: i32) -> (i32, i32) {
    %c0_i32 = arith.constant 0 : i32
    %c0_i32_0 = arith.constant 0 : i32
    return %arg0, %c0_i32 : i32, i32
  }
  func.func @transform_2(%arg0: i32) -> (i32, i32) {
    %c0_i32 = arith.constant 0 : i32
    %c0_i32_0 = arith.constant 0 : i32
    %c0_i32_1 = arith.constant 0 : i32
    return %c0_i32, %c0_i32_0 : i32, i32
  }
  func.func @transform_3(%arg0: i32) -> (i32, i32) {
    %c0_i32 = arith.constant 0 : i32
    %c0_i32_0 = arith.constant 0 : i32
    %c0_i32_1 = arith.constant 0 : i32
    return %c0_i32, %c0_i32_0 : i32, i32
  }
  func.func @transform_4(%arg0: i32) -> (i32, i32) {
    %c0_i32 = arith.constant 0 : i32
    %c0_i32_0 = arith.constant 0 : i32
    return %arg0, %c0_i32 : i32, i32
  }
}

module attributes {stable_mosaic.version = 14 : i64} {
  func.func @_scale_x_body(%arg0: i32, %arg1: memref<256x128xf32, #tpu.memory_space<vmem>>, %arg2: memref<32x16x16xf32, #tpu.memory_space<vmem>>, %arg3: memref<256x128xf32, #tpu.memory_space<vmem>>, %arg4: memref<256x128xf32, #tpu.memory_space<vmem>>) attributes {dimension_semantics = [#tpu.dimension_semantics<arbitrary>], iteration_bounds = array<i64: 40>, scalar_prefetch = 0 : i64, scratch_operands = 0 : i64, tpu.core_type = #tpu.core_type<tc>, window_params = [{transform_indices = @transform_0, window_bounds = array<i64: 256, 128>}, {transform_indices = @transform_1, window_bounds = array<i64: 32, 16, 16>}, {transform_indices = @transform_2, window_bounds = array<i64: 256, 128>}, {transform_indices = @transform_3, window_bounds = array<i64: 256, 128>}]} {
    %get3A = arith.constant 0 : index
    %get3A_0 = arith.constant 0 : index
    %get3A_1 = arith.constant 0 : index
    %get3A_2 = vector.load %arg2[%get3A, %get3A_0, %get3A_1] : memref<32x16x16xf32, #tpu.memory_space<vmem>>, vector<32x16x16xf32>
    %reduce_sum3A = arith.constant dense<0.000000e+00> : vector<16x16xf32>
    %reduce_sum3A_3 = vector.multi_reduction <add>, %get3A_2, %reduce_sum3A [0] : vector<32x16x16xf32> to vector<16x16xf32>
    %gt3A = arith.constant 0.000000e+00 : f32
    %gt3A_4 = vector.broadcast %gt3A : f32 to vector<16x16xf32>
    %gt3A_5 = arith.cmpf ogt, %reduce_sum3A_3, %gt3A_4 : vector<16x16xf32>
    %max3A = arith.constant 1.000000e+00 : f32
    %max3A_6 = vector.broadcast %max3A : f32 to vector<16x16xf32>
    %max3A_7 = arith.maximumf %reduce_sum3A_3, %max3A_6 : vector<16x16xf32>
    %rsqrt3A = math.rsqrt %max3A_7 : vector<16x16xf32>
    %jit3A = arith.constant 0.000000e+00 : f32
    %broadcast_in_dim3A = vector.broadcast %jit3A : f32 to vector<16x16xf32>
    %select_n3A = arith.select %gt3A_5, %rsqrt3A, %broadcast_in_dim3A : vector<16x16xi1>, vector<16x16xf32>
    %iota3A = tpu.iota {dimensions = array<i32: 0>} : vector<256x16xi32>
    %jit3A_8 = arith.constant 16 : i32
    %div3A = vector.broadcast %jit3A_8 : i32 to vector<256x16xi32>
    %div3A_9 = arith.divsi %iota3A, %div3A : vector<256x16xi32>
    %sign3A = arith.constant 0 : i32
    %sign3A_10 = vector.broadcast %sign3A : i32 to vector<256x16xi32>
    %sign3A_11 = arith.cmpi sgt, %iota3A, %sign3A_10 : vector<256x16xi32>
    %sign3A_12 = arith.extui %sign3A_11 : vector<256x16xi1> to vector<256x16xi32>
    %sign3A_13 = arith.constant 0 : i32
    %sign3A_14 = vector.broadcast %sign3A_13 : i32 to vector<256x16xi32>
    %sign3A_15 = arith.cmpi slt, %iota3A, %sign3A_14 : vector<256x16xi32>
    %sign3A_16 = arith.extui %sign3A_15 : vector<256x16xi1> to vector<256x16xi32>
    %sign3A_17 = arith.subi %sign3A_12, %sign3A_16 : vector<256x16xi32>
    %sign3A_18 = arith.constant 0 : i32
    %sign3A_19 = arith.cmpi sgt, %jit3A_8, %sign3A_18 : i32
    %sign3A_20 = arith.extui %sign3A_19 : i1 to i32
    %sign3A_21 = arith.constant 0 : i32
    %sign3A_22 = arith.cmpi slt, %jit3A_8, %sign3A_21 : i32
    %sign3A_23 = arith.extui %sign3A_22 : i1 to i32
    %sign3A_24 = arith.subi %sign3A_20, %sign3A_23 : i32
    %ne3A = vector.broadcast %sign3A_24 : i32 to vector<256x16xi32>
    %ne3A_25 = arith.cmpi ne, %sign3A_17, %ne3A : vector<256x16xi32>
    %rem3A = vector.broadcast %jit3A_8 : i32 to vector<256x16xi32>
    %rem3A_26 = arith.remsi %iota3A, %rem3A : vector<256x16xi32>
    %ne3A_27 = arith.constant 0 : i32
    %ne3A_28 = vector.broadcast %ne3A_27 : i32 to vector<256x16xi32>
    %ne3A_29 = arith.cmpi ne, %rem3A_26, %ne3A_28 : vector<256x16xi32>
    %and3A = arith.andi %ne3A_25, %ne3A_29 : vector<256x16xi1>
    %sub3A = arith.constant 1 : i32
    %sub3A_30 = vector.broadcast %sub3A : i32 to vector<256x16xi32>
    %sub3A_31 = arith.subi %div3A_9, %sub3A_30 : vector<256x16xi32>
    %select_n3A_32 = arith.select %and3A, %sub3A_31, %div3A_9 : vector<256x16xi1>, vector<256x16xi32>
    %iota3A_33 = tpu.iota {dimensions = array<i32: 1>} : vector<256x16xi32>
    %eq3A = arith.cmpi eq, %select_n3A_32, %iota3A_33 : vector<256x16xi32>
    %convert_element_type3A = arith.extui %eq3A : vector<256x16xi1> to vector<256x16xi32>
    %convert_element_type3A_34 = arith.sitofp %convert_element_type3A : vector<256x16xi32> to vector<256x16xf32>
    %dot_general3A = arith.constant dense<0.000000e+00> : vector<256x16xf32>
    %dot_general3A_35 = tpu.matmul %convert_element_type3A_34, %select_n3A, %dot_general3A {dimension_numbers = #tpu.dot_dimension_numbers<[1], [0], [0], [1], [0, 0, 1, 1], [], []>, transpose_lhs_hint = false} : vector<256x16xf32>, vector<16x16xf32>, vector<256x16xf32> -> vector<256x16xf32>
    %iota3A_36 = tpu.iota {dimensions = array<i32: 0>} : vector<256x128xi32>
    %jit3A_37 = arith.constant 16 : i32
    %eq3A_38 = arith.constant 0 : i32
    %eq3A_39 = arith.cmpi eq, %jit3A_37, %eq3A_38 : i32
    %jit3A_40 = arith.constant 1 : i32
    %select_n3A_41 = arith.select %eq3A_39, %jit3A_40, %jit3A_37 : i32
    %rem3A_42 = vector.broadcast %select_n3A_41 : i32 to vector<256x128xi32>
    %rem3A_43 = arith.remsi %iota3A_36, %rem3A_42 : vector<256x128xi32>
    %ne3A_44 = arith.constant 0 : i32
    %ne3A_45 = vector.broadcast %ne3A_44 : i32 to vector<256x128xi32>
    %ne3A_46 = arith.cmpi ne, %rem3A_43, %ne3A_45 : vector<256x128xi32>
    %lt3A = arith.constant 0 : i32
    %lt3A_47 = vector.broadcast %lt3A : i32 to vector<256x128xi32>
    %lt3A_48 = arith.cmpi slt, %rem3A_43, %lt3A_47 : vector<256x128xi32>
    %lt3A_49 = arith.constant 0 : i32
    %lt3A_50 = arith.cmpi slt, %select_n3A_41, %lt3A_49 : i32
    %ne3A_51 = vector.broadcast %lt3A_50 : i1 to vector<256x128xi1>
    %ne3A_52 = vector.broadcast %ne3A_51 : vector<256x128xi1> to vector<256x128xi1>
    %ne3A_53 = arith.xori %lt3A_48, %ne3A_52 : vector<256x128xi1>
    %and3A_54 = arith.andi %ne3A_53, %ne3A_46 : vector<256x128xi1>
    %add3A = vector.broadcast %select_n3A_41 : i32 to vector<256x128xi32>
    %add3A_55 = arith.addi %rem3A_43, %add3A : vector<256x128xi32>
    %select_n3A_56 = arith.select %and3A_54, %add3A_55, %rem3A_43 : vector<256x128xi1>, vector<256x128xi32>
    %broadcast_in_dim3A_57 = arith.constant 0.000000e+00 : f32
    %broadcast_in_dim3A_58 = vector.broadcast %broadcast_in_dim3A_57 : f32 to vector<256x128xf32>
    %eq3A_59 = arith.constant 0 : i32
    %eq3A_60 = vector.broadcast %eq3A_59 : i32 to vector<256x128xi32>
    %eq3A_61 = arith.cmpi eq, %select_n3A_56, %eq3A_60 : vector<256x128xi32>
    %slice3A = vector.extract_strided_slice %dot_general3A_35 {offsets = [0, 0], sizes = [256, 1], strides = [1, 1]} : vector<256x16xf32> to vector<256x1xf32>
    %jit3A_62 = arith.constant 0.000000e+00 : f32
    %broadcast_in_dim3A_63 = vector.shape_cast %slice3A : vector<256x1xf32> to vector<256x1xf32>
    %broadcast_in_dim3A_64 = vector.broadcast %broadcast_in_dim3A_63 : vector<256x1xf32> to vector<256x128xf32>
    %broadcast_in_dim3A_65 = vector.broadcast %jit3A_62 : f32 to vector<256x128xf32>
    %select_n3A_66 = arith.select %eq3A_61, %broadcast_in_dim3A_64, %broadcast_in_dim3A_65 : vector<256x128xi1>, vector<256x128xf32>
    %add3A_67 = arith.addf %broadcast_in_dim3A_58, %select_n3A_66 : vector<256x128xf32>
    %eq3A_68 = arith.constant 1 : i32
    %eq3A_69 = vector.broadcast %eq3A_68 : i32 to vector<256x128xi32>
    %eq3A_70 = arith.cmpi eq, %select_n3A_56, %eq3A_69 : vector<256x128xi32>
    %slice3A_71 = vector.extract_strided_slice %dot_general3A_35 {offsets = [0, 1], sizes = [256, 1], strides = [1, 1]} : vector<256x16xf32> to vector<256x1xf32>
    %jit3A_72 = arith.constant 0.000000e+00 : f32
    %broadcast_in_dim3A_73 = vector.shape_cast %slice3A_71 : vector<256x1xf32> to vector<256x1xf32>
    %broadcast_in_dim3A_74 = vector.broadcast %broadcast_in_dim3A_73 : vector<256x1xf32> to vector<256x128xf32>
    %broadcast_in_dim3A_75 = vector.broadcast %jit3A_72 : f32 to vector<256x128xf32>
    %select_n3A_76 = arith.select %eq3A_70, %broadcast_in_dim3A_74, %broadcast_in_dim3A_75 : vector<256x128xi1>, vector<256x128xf32>
    %add3A_77 = arith.addf %add3A_67, %select_n3A_76 : vector<256x128xf32>
    %eq3A_78 = arith.constant 2 : i32
    %eq3A_79 = vector.broadcast %eq3A_78 : i32 to vector<256x128xi32>
    %eq3A_80 = arith.cmpi eq, %select_n3A_56, %eq3A_79 : vector<256x128xi32>
    %slice3A_81 = vector.extract_strided_slice %dot_general3A_35 {offsets = [0, 2], sizes = [256, 1], strides = [1, 1]} : vector<256x16xf32> to vector<256x1xf32>
    %jit3A_82 = arith.constant 0.000000e+00 : f32
    %broadcast_in_dim3A_83 = vector.shape_cast %slice3A_81 : vector<256x1xf32> to vector<256x1xf32>
    %broadcast_in_dim3A_84 = vector.broadcast %broadcast_in_dim3A_83 : vector<256x1xf32> to vector<256x128xf32>
    %broadcast_in_dim3A_85 = vector.broadcast %jit3A_82 : f32 to vector<256x128xf32>
    %select_n3A_86 = arith.select %eq3A_80, %broadcast_in_dim3A_84, %broadcast_in_dim3A_85 : vector<256x128xi1>, vector<256x128xf32>
    %add3A_87 = arith.addf %add3A_77, %select_n3A_86 : vector<256x128xf32>
    %eq3A_88 = arith.constant 3 : i32
    %eq3A_89 = vector.broadcast %eq3A_88 : i32 to vector<256x128xi32>
    %eq3A_90 = arith.cmpi eq, %select_n3A_56, %eq3A_89 : vector<256x128xi32>
    %slice3A_91 = vector.extract_strided_slice %dot_general3A_35 {offsets = [0, 3], sizes = [256, 1], strides = [1, 1]} : vector<256x16xf32> to vector<256x1xf32>
    %jit3A_92 = arith.constant 0.000000e+00 : f32
    %broadcast_in_dim3A_93 = vector.shape_cast %slice3A_91 : vector<256x1xf32> to vector<256x1xf32>
    %broadcast_in_dim3A_94 = vector.broadcast %broadcast_in_dim3A_93 : vector<256x1xf32> to vector<256x128xf32>
    %broadcast_in_dim3A_95 = vector.broadcast %jit3A_92 : f32 to vector<256x128xf32>
    %select_n3A_96 = arith.select %eq3A_90, %broadcast_in_dim3A_94, %broadcast_in_dim3A_95 : vector<256x128xi1>, vector<256x128xf32>
    %add3A_97 = arith.addf %add3A_87, %select_n3A_96 : vector<256x128xf32>
    %eq3A_98 = arith.constant 4 : i32
    %eq3A_99 = vector.broadcast %eq3A_98 : i32 to vector<256x128xi32>
    %eq3A_100 = arith.cmpi eq, %select_n3A_56, %eq3A_99 : vector<256x128xi32>
    %slice3A_101 = vector.extract_strided_slice %dot_general3A_35 {offsets = [0, 4], sizes = [256, 1], strides = [1, 1]} : vector<256x16xf32> to vector<256x1xf32>
    %jit3A_102 = arith.constant 0.000000e+00 : f32
    %broadcast_in_dim3A_103 = vector.shape_cast %slice3A_101 : vector<256x1xf32> to vector<256x1xf32>
    %broadcast_in_dim3A_104 = vector.broadcast %broadcast_in_dim3A_103 : vector<256x1xf32> to vector<256x128xf32>
    %broadcast_in_dim3A_105 = vector.broadcast %jit3A_102 : f32 to vector<256x128xf32>
    %select_n3A_106 = arith.select %eq3A_100, %broadcast_in_dim3A_104, %broadcast_in_dim3A_105 : vector<256x128xi1>, vector<256x128xf32>
    %add3A_107 = arith.addf %add3A_97, %select_n3A_106 : vector<256x128xf32>
    %eq3A_108 = arith.constant 5 : i32
    %eq3A_109 = vector.broadcast %eq3A_108 : i32 to vector<256x128xi32>
    %eq3A_110 = arith.cmpi eq, %select_n3A_56, %eq3A_109 : vector<256x128xi32>
    %slice3A_111 = vector.extract_strided_slice %dot_general3A_35 {offsets = [0, 5], sizes = [256, 1], strides = [1, 1]} : vector<256x16xf32> to vector<256x1xf32>
    %jit3A_112 = arith.constant 0.000000e+00 : f32
    %broadcast_in_dim3A_113 = vector.shape_cast %slice3A_111 : vector<256x1xf32> to vector<256x1xf32>
    %broadcast_in_dim3A_114 = vector.broadcast %broadcast_in_dim3A_113 : vector<256x1xf32> to vector<256x128xf32>
    %broadcast_in_dim3A_115 = vector.broadcast %jit3A_112 : f32 to vector<256x128xf32>
    %select_n3A_116 = arith.select %eq3A_110, %broadcast_in_dim3A_114, %broadcast_in_dim3A_115 : vector<256x128xi1>, vector<256x128xf32>
    %add3A_117 = arith.addf %add3A_107, %select_n3A_116 : vector<256x128xf32>
    %eq3A_118 = arith.constant 6 : i32
    %eq3A_119 = vector.broadcast %eq3A_118 : i32 to vector<256x128xi32>
    %eq3A_120 = arith.cmpi eq, %select_n3A_56, %eq3A_119 : vector<256x128xi32>
    %slice3A_121 = vector.extract_strided_slice %dot_general3A_35 {offsets = [0, 6], sizes = [256, 1], strides = [1, 1]} : vector<256x16xf32> to vector<256x1xf32>
    %jit3A_122 = arith.constant 0.000000e+00 : f32
    %broadcast_in_dim3A_123 = vector.shape_cast %slice3A_121 : vector<256x1xf32> to vector<256x1xf32>
    %broadcast_in_dim3A_124 = vector.broadcast %broadcast_in_dim3A_123 : vector<256x1xf32> to vector<256x128xf32>
    %broadcast_in_dim3A_125 = vector.broadcast %jit3A_122 : f32 to vector<256x128xf32>
    %select_n3A_126 = arith.select %eq3A_120, %broadcast_in_dim3A_124, %broadcast_in_dim3A_125 : vector<256x128xi1>, vector<256x128xf32>
    %add3A_127 = arith.addf %add3A_117, %select_n3A_126 : vector<256x128xf32>
    %eq3A_128 = arith.constant 7 : i32
    %eq3A_129 = vector.broadcast %eq3A_128 : i32 to vector<256x128xi32>
    %eq3A_130 = arith.cmpi eq, %select_n3A_56, %eq3A_129 : vector<256x128xi32>
    %slice3A_131 = vector.extract_strided_slice %dot_general3A_35 {offsets = [0, 7], sizes = [256, 1], strides = [1, 1]} : vector<256x16xf32> to vector<256x1xf32>
    %jit3A_132 = arith.constant 0.000000e+00 : f32
    %broadcast_in_dim3A_133 = vector.shape_cast %slice3A_131 : vector<256x1xf32> to vector<256x1xf32>
    %broadcast_in_dim3A_134 = vector.broadcast %broadcast_in_dim3A_133 : vector<256x1xf32> to vector<256x128xf32>
    %broadcast_in_dim3A_135 = vector.broadcast %jit3A_132 : f32 to vector<256x128xf32>
    %select_n3A_136 = arith.select %eq3A_130, %broadcast_in_dim3A_134, %broadcast_in_dim3A_135 : vector<256x128xi1>, vector<256x128xf32>
    %add3A_137 = arith.addf %add3A_127, %select_n3A_136 : vector<256x128xf32>
    %eq3A_138 = arith.constant 8 : i32
    %eq3A_139 = vector.broadcast %eq3A_138 : i32 to vector<256x128xi32>
    %eq3A_140 = arith.cmpi eq, %select_n3A_56, %eq3A_139 : vector<256x128xi32>
    %slice3A_141 = vector.extract_strided_slice %dot_general3A_35 {offsets = [0, 8], sizes = [256, 1], strides = [1, 1]} : vector<256x16xf32> to vector<256x1xf32>
    %jit3A_142 = arith.constant 0.000000e+00 : f32
    %broadcast_in_dim3A_143 = vector.shape_cast %slice3A_141 : vector<256x1xf32> to vector<256x1xf32>
    %broadcast_in_dim3A_144 = vector.broadcast %broadcast_in_dim3A_143 : vector<256x1xf32> to vector<256x128xf32>
    %broadcast_in_dim3A_145 = vector.broadcast %jit3A_142 : f32 to vector<256x128xf32>
    %select_n3A_146 = arith.select %eq3A_140, %broadcast_in_dim3A_144, %broadcast_in_dim3A_145 : vector<256x128xi1>, vector<256x128xf32>
    %add3A_147 = arith.addf %add3A_137, %select_n3A_146 : vector<256x128xf32>
    %eq3A_148 = arith.constant 9 : i32
    %eq3A_149 = vector.broadcast %eq3A_148 : i32 to vector<256x128xi32>
    %eq3A_150 = arith.cmpi eq, %select_n3A_56, %eq3A_149 : vector<256x128xi32>
    %slice3A_151 = vector.extract_strided_slice %dot_general3A_35 {offsets = [0, 9], sizes = [256, 1], strides = [1, 1]} : vector<256x16xf32> to vector<256x1xf32>
    %jit3A_152 = arith.constant 0.000000e+00 : f32
    %broadcast_in_dim3A_153 = vector.shape_cast %slice3A_151 : vector<256x1xf32> to vector<256x1xf32>
    %broadcast_in_dim3A_154 = vector.broadcast %broadcast_in_dim3A_153 : vector<256x1xf32> to vector<256x128xf32>
    %broadcast_in_dim3A_155 = vector.broadcast %jit3A_152 : f32 to vector<256x128xf32>
    %select_n3A_156 = arith.select %eq3A_150, %broadcast_in_dim3A_154, %broadcast_in_dim3A_155 : vector<256x128xi1>, vector<256x128xf32>
    %add3A_157 = arith.addf %add3A_147, %select_n3A_156 : vector<256x128xf32>
    %eq3A_158 = arith.constant 10 : i32
    %eq3A_159 = vector.broadcast %eq3A_158 : i32 to vector<256x128xi32>
    %eq3A_160 = arith.cmpi eq, %select_n3A_56, %eq3A_159 : vector<256x128xi32>
    %slice3A_161 = vector.extract_strided_slice %dot_general3A_35 {offsets = [0, 10], sizes = [256, 1], strides = [1, 1]} : vector<256x16xf32> to vector<256x1xf32>
    %jit3A_162 = arith.constant 0.000000e+00 : f32
    %broadcast_in_dim3A_163 = vector.shape_cast %slice3A_161 : vector<256x1xf32> to vector<256x1xf32>
    %broadcast_in_dim3A_164 = vector.broadcast %broadcast_in_dim3A_163 : vector<256x1xf32> to vector<256x128xf32>
    %broadcast_in_dim3A_165 = vector.broadcast %jit3A_162 : f32 to vector<256x128xf32>
    %select_n3A_166 = arith.select %eq3A_160, %broadcast_in_dim3A_164, %broadcast_in_dim3A_165 : vector<256x128xi1>, vector<256x128xf32>
    %add3A_167 = arith.addf %add3A_157, %select_n3A_166 : vector<256x128xf32>
    %eq3A_168 = arith.constant 11 : i32
    %eq3A_169 = vector.broadcast %eq3A_168 : i32 to vector<256x128xi32>
    %eq3A_170 = arith.cmpi eq, %select_n3A_56, %eq3A_169 : vector<256x128xi32>
    %slice3A_171 = vector.extract_strided_slice %dot_general3A_35 {offsets = [0, 11], sizes = [256, 1], strides = [1, 1]} : vector<256x16xf32> to vector<256x1xf32>
    %jit3A_172 = arith.constant 0.000000e+00 : f32
    %broadcast_in_dim3A_173 = vector.shape_cast %slice3A_171 : vector<256x1xf32> to vector<256x1xf32>
    %broadcast_in_dim3A_174 = vector.broadcast %broadcast_in_dim3A_173 : vector<256x1xf32> to vector<256x128xf32>
    %broadcast_in_dim3A_175 = vector.broadcast %jit3A_172 : f32 to vector<256x128xf32>
    %select_n3A_176 = arith.select %eq3A_170, %broadcast_in_dim3A_174, %broadcast_in_dim3A_175 : vector<256x128xi1>, vector<256x128xf32>
    %add3A_177 = arith.addf %add3A_167, %select_n3A_176 : vector<256x128xf32>
    %eq3A_178 = arith.constant 12 : i32
    %eq3A_179 = vector.broadcast %eq3A_178 : i32 to vector<256x128xi32>
    %eq3A_180 = arith.cmpi eq, %select_n3A_56, %eq3A_179 : vector<256x128xi32>
    %slice3A_181 = vector.extract_strided_slice %dot_general3A_35 {offsets = [0, 12], sizes = [256, 1], strides = [1, 1]} : vector<256x16xf32> to vector<256x1xf32>
    %jit3A_182 = arith.constant 0.000000e+00 : f32
    %broadcast_in_dim3A_183 = vector.shape_cast %slice3A_181 : vector<256x1xf32> to vector<256x1xf32>
    %broadcast_in_dim3A_184 = vector.broadcast %broadcast_in_dim3A_183 : vector<256x1xf32> to vector<256x128xf32>
    %broadcast_in_dim3A_185 = vector.broadcast %jit3A_182 : f32 to vector<256x128xf32>
    %select_n3A_186 = arith.select %eq3A_180, %broadcast_in_dim3A_184, %broadcast_in_dim3A_185 : vector<256x128xi1>, vector<256x128xf32>
    %add3A_187 = arith.addf %add3A_177, %select_n3A_186 : vector<256x128xf32>
    %eq3A_188 = arith.constant 13 : i32
    %eq3A_189 = vector.broadcast %eq3A_188 : i32 to vector<256x128xi32>
    %eq3A_190 = arith.cmpi eq, %select_n3A_56, %eq3A_189 : vector<256x128xi32>
    %slice3A_191 = vector.extract_strided_slice %dot_general3A_35 {offsets = [0, 13], sizes = [256, 1], strides = [1, 1]} : vector<256x16xf32> to vector<256x1xf32>
    %jit3A_192 = arith.constant 0.000000e+00 : f32
    %broadcast_in_dim3A_193 = vector.shape_cast %slice3A_191 : vector<256x1xf32> to vector<256x1xf32>
    %broadcast_in_dim3A_194 = vector.broadcast %broadcast_in_dim3A_193 : vector<256x1xf32> to vector<256x128xf32>
    %broadcast_in_dim3A_195 = vector.broadcast %jit3A_192 : f32 to vector<256x128xf32>
    %select_n3A_196 = arith.select %eq3A_190, %broadcast_in_dim3A_194, %broadcast_in_dim3A_195 : vector<256x128xi1>, vector<256x128xf32>
    %add3A_197 = arith.addf %add3A_187, %select_n3A_196 : vector<256x128xf32>
    %eq3A_198 = arith.constant 14 : i32
    %eq3A_199 = vector.broadcast %eq3A_198 : i32 to vector<256x128xi32>
    %eq3A_200 = arith.cmpi eq, %select_n3A_56, %eq3A_199 : vector<256x128xi32>
    %slice3A_201 = vector.extract_strided_slice %dot_general3A_35 {offsets = [0, 14], sizes = [256, 1], strides = [1, 1]} : vector<256x16xf32> to vector<256x1xf32>
    %jit3A_202 = arith.constant 0.000000e+00 : f32
    %broadcast_in_dim3A_203 = vector.shape_cast %slice3A_201 : vector<256x1xf32> to vector<256x1xf32>
    %broadcast_in_dim3A_204 = vector.broadcast %broadcast_in_dim3A_203 : vector<256x1xf32> to vector<256x128xf32>
    %broadcast_in_dim3A_205 = vector.broadcast %jit3A_202 : f32 to vector<256x128xf32>
    %select_n3A_206 = arith.select %eq3A_200, %broadcast_in_dim3A_204, %broadcast_in_dim3A_205 : vector<256x128xi1>, vector<256x128xf32>
    %add3A_207 = arith.addf %add3A_197, %select_n3A_206 : vector<256x128xf32>
    %eq3A_208 = arith.constant 15 : i32
    %eq3A_209 = vector.broadcast %eq3A_208 : i32 to vector<256x128xi32>
    %eq3A_210 = arith.cmpi eq, %select_n3A_56, %eq3A_209 : vector<256x128xi32>
    %slice3A_211 = vector.extract_strided_slice %dot_general3A_35 {offsets = [0, 15], sizes = [256, 1], strides = [1, 1]} : vector<256x16xf32> to vector<256x1xf32>
    %jit3A_212 = arith.constant 0.000000e+00 : f32
    %broadcast_in_dim3A_213 = vector.shape_cast %slice3A_211 : vector<256x1xf32> to vector<256x1xf32>
    %broadcast_in_dim3A_214 = vector.broadcast %broadcast_in_dim3A_213 : vector<256x1xf32> to vector<256x128xf32>
    %broadcast_in_dim3A_215 = vector.broadcast %jit3A_212 : f32 to vector<256x128xf32>
    %select_n3A_216 = arith.select %eq3A_210, %broadcast_in_dim3A_214, %broadcast_in_dim3A_215 : vector<256x128xi1>, vector<256x128xf32>
    %add3A_217 = arith.addf %add3A_207, %select_n3A_216 : vector<256x128xf32>
    %swap3A = arith.constant 0 : index
    %swap3A_218 = arith.constant 0 : index
    %swap3A_219 = vector.load %arg4[%swap3A, %swap3A_218] : memref<256x128xf32, #tpu.memory_space<vmem>>, vector<256x128xf32>
    tpu.vector_store %arg4[%swap3A, %swap3A_218], %add3A_217 {strides = array<i32>} : memref<256x128xf32, #tpu.memory_space<vmem>>, vector<256x128xf32>,
    %get3A_220 = arith.constant 0 : index
    %get3A_221 = arith.constant 0 : index
    %get3A_222 = vector.load %arg1[%get3A_220, %get3A_221] : memref<256x128xf32, #tpu.memory_space<vmem>>, vector<256x128xf32>
    %mul3A = arith.mulf %get3A_222, %add3A_217 : vector<256x128xf32>
    %swap3A_223 = arith.constant 0 : index
    %swap3A_224 = arith.constant 0 : index
    %swap3A_225 = vector.load %arg3[%swap3A_223, %swap3A_224] : memref<256x128xf32, #tpu.memory_space<vmem>>, vector<256x128xf32>
    tpu.vector_store %arg3[%swap3A_223, %swap3A_224], %mul3A {strides = array<i32>} : memref<256x128xf32, #tpu.memory_space<vmem>>, vector<256x128xf32>,
    return
  }
  func.func @transform_0(%arg0: i32) -> (i32, i32) {
    %c0_i32 = arith.constant 0 : i32
    %c0_i32_0 = arith.constant 0 : i32
    return %arg0, %c0_i32 : i32, i32
  }
  func.func @transform_1(%arg0: i32) -> (i32, i32, i32) {
    %c0_i32 = arith.constant 0 : i32
    %c0_i32_0 = arith.constant 0 : i32
    %c0_i32_1 = arith.constant 0 : i32
    return %c0_i32, %arg0, %c0_i32_0 : i32, i32, i32
  }
  func.func @transform_2(%arg0: i32) -> (i32, i32) {
    %c0_i32 = arith.constant 0 : i32
    %c0_i32_0 = arith.constant 0 : i32
    return %arg0, %c0_i32 : i32, i32
  }
  func.func @transform_3(%arg0: i32) -> (i32, i32) {
    %c0_i32 = arith.constant 0 : i32
    %c0_i32_0 = arith.constant 0 : i32
    return %arg0, %c0_i32 : i32, i32
  }
}

module attributes {stable_mosaic.version = 14 : i64} {
  func.func @_pool_body(%arg0: i32, %arg1: memref<2x256x128xf32, #tpu.memory_space<vmem>>, %arg2: memref<256x128xf32, #tpu.memory_space<vmem>>, %arg3: memref<256x1xi32, #tpu.memory_space<vmem>>, %arg4: memref<128x128xf32, #tpu.memory_space<vmem>>, %arg5: memref<1x128xf32, #tpu.memory_space<vmem>>, %arg6: memref<64x128xf32, #tpu.memory_space<vmem>>, %arg7: memref<64x128xf32, #tpu.memory_space<vmem>>, %arg8: memref<64x128xf32, #tpu.memory_space<vmem>>) attributes {dimension_semantics = [#tpu.dimension_semantics<arbitrary>], iteration_bounds = array<i64: 40>, scalar_prefetch = 0 : i64, scratch_operands = 2 : i64, tpu.core_type = #tpu.core_type<tc>, window_params = [{transform_indices = @transform_0, window_bounds = array<i64: 2, 256, 128>}, {transform_indices = @transform_1, window_bounds = array<i64: 256, 128>}, {transform_indices = @transform_2, window_bounds = array<i64: 256, 1>}, {pipeline_mode = #tpu.pipeline_mode<synchronous>, transform_indices = @transform_3, window_bounds = array<i64: 128, 128>}, {pipeline_mode = #tpu.pipeline_mode<synchronous>, transform_indices = @transform_4, window_bounds = array<i64: 1, 128>}, {pipeline_mode = #tpu.pipeline_mode<synchronous>, transform_indices = @transform_5, window_bounds = array<i64: 64, 128>}]} {
    %eq3A = arith.constant 0 : i32
    %eq3A_0 = arith.cmpi eq, %arg0, %eq3A : i32
    %convert_element_type3A = arith.extui %eq3A_0 : i1 to i32
    %cond3A = arith.constant 0 : i32
    %cond3A_1 = arith.cmpi ne, %convert_element_type3A, %cond3A : i32
    scf.if %cond3A_1 {
      %broadcast_in_dim3A_43 = arith.constant 0.000000e+00 : f32
      %broadcast_in_dim3A_44 = vector.broadcast %broadcast_in_dim3A_43 : f32 to vector<64x128xf32>
      %swap3A_45 = arith.constant 0 : index
      %swap3A_46 = arith.constant 0 : index
      %swap3A_47 = vector.load %arg7[%swap3A_45, %swap3A_46] : memref<64x128xf32, #tpu.memory_space<vmem>>, vector<64x128xf32>
      tpu.vector_store %arg7[%swap3A_45, %swap3A_46], %broadcast_in_dim3A_44 {strides = array<i32>} : memref<64x128xf32, #tpu.memory_space<vmem>>, vector<64x128xf32>,
      %broadcast_in_dim3A_48 = arith.constant 0.000000e+00 : f32
      %broadcast_in_dim3A_49 = vector.broadcast %broadcast_in_dim3A_48 : f32 to vector<64x128xf32>
      %swap3A_50 = arith.constant 0 : index
      %swap3A_51 = arith.constant 0 : index
      %swap3A_52 = vector.load %arg8[%swap3A_50, %swap3A_51] : memref<64x128xf32, #tpu.memory_space<vmem>>, vector<64x128xf32>
      tpu.vector_store %arg8[%swap3A_50, %swap3A_51], %broadcast_in_dim3A_49 {strides = array<i32>} : memref<64x128xf32, #tpu.memory_space<vmem>>, vector<64x128xf32>,
    } else {
    }
    %get3A = arith.constant 0 : index
    %get3A_2 = arith.constant 0 : index
    %get3A_3 = arith.constant 0 : index
    %get3A_4 = vector.load %arg1[%get3A, %get3A_2, %get3A_3] : memref<2x256x128xf32, #tpu.memory_space<vmem>>, vector<1x256x128xf32>
    %get3A_5 = vector.shape_cast %get3A_4 : vector<1x256x128xf32> to vector<256x128xf32>
    %get3A_6 = arith.constant 1 : index
    %get3A_7 = arith.constant 0 : index
    %get3A_8 = arith.constant 0 : index
    %get3A_9 = vector.load %arg1[%get3A_6, %get3A_7, %get3A_8] : memref<2x256x128xf32, #tpu.memory_space<vmem>>, vector<1x256x128xf32>
    %get3A_10 = vector.shape_cast %get3A_9 : vector<1x256x128xf32> to vector<256x128xf32>
    %add3A = arith.addf %get3A_5, %get3A_10 : vector<256x128xf32>
    %get3A_11 = arith.constant 0 : index
    %get3A_12 = arith.constant 0 : index
    %get3A_13 = vector.load %arg2[%get3A_11, %get3A_12] : memref<256x128xf32, #tpu.memory_space<vmem>>, vector<256x128xf32>
    %mul3A = arith.mulf %add3A, %get3A_13 : vector<256x128xf32>
    %get3A_14 = arith.constant 0 : index
    %get3A_15 = arith.constant 0 : index
    %get3A_16 = vector.load %arg3[%get3A_14, %get3A_15] : memref<256x1xi32, #tpu.memory_space<vmem>>, vector<256x1xi32>
    %iota3A = tpu.iota {dimensions = array<i32: 1>} : vector<256x64xi32>
    %eq3A_17 = vector.broadcast %get3A_16 : vector<256x1xi32> to vector<256x64xi32>
    %eq3A_18 = arith.cmpi eq, %iota3A, %eq3A_17 : vector<256x64xi32>
    %convert_element_type3A_19 = arith.extui %eq3A_18 : vector<256x64xi1> to vector<256x64xi32>
    %convert_element_type3A_20 = arith.sitofp %convert_element_type3A_19 : vector<256x64xi32> to vector<256x64xf32>
    %get3A_21 = arith.constant 0 : index
    %get3A_22 = arith.constant 0 : index
    %get3A_23 = vector.load %arg7[%get3A_21, %get3A_22] : memref<64x128xf32, #tpu.memory_space<vmem>>, vector<64x128xf32>
    %dot_general3A = arith.constant dense<0.000000e+00> : vector<64x128xf32>
    %dot_general3A_24 = tpu.matmul %convert_element_type3A_20, %mul3A, %dot_general3A {dimension_numbers = #tpu.dot_dimension_numbers<[0], [0], [1], [1], [0, 1, 1, 1], [], []>, transpose_lhs_hint = false} : vector<256x64xf32>, vector<256x128xf32>, vector<64x128xf32> -> vector<64x128xf32>
    %add3A_25 = arith.addf %get3A_23, %dot_general3A_24 : vector<64x128xf32>
    %swap3A = arith.constant 0 : index
    %swap3A_26 = arith.constant 0 : index
    %swap3A_27 = vector.load %arg7[%swap3A, %swap3A_26] : memref<64x128xf32, #tpu.memory_space<vmem>>, vector<64x128xf32>
    tpu.vector_store %arg7[%swap3A, %swap3A_26], %add3A_25 {strides = array<i32>} : memref<64x128xf32, #tpu.memory_space<vmem>>, vector<64x128xf32>,
    %get3A_28 = arith.constant 0 : index
    %get3A_29 = arith.constant 0 : index
    %get3A_30 = vector.load %arg8[%get3A_28, %get3A_29] : memref<64x128xf32, #tpu.memory_space<vmem>>, vector<64x128xf32>
    %broadcast_in_dim3A = arith.constant 1.000000e+00 : f32
    %broadcast_in_dim3A_31 = vector.broadcast %broadcast_in_dim3A : f32 to vector<256x128xf32>
    %dot_general3A_32 = arith.constant dense<0.000000e+00> : vector<64x128xf32>
    %dot_general3A_33 = tpu.matmul %convert_element_type3A_20, %broadcast_in_dim3A_31, %dot_general3A_32 {dimension_numbers = #tpu.dot_dimension_numbers<[0], [0], [1], [1], [0, 1, 1, 1], [], []>, transpose_lhs_hint = false} : vector<256x64xf32>, vector<256x128xf32>, vector<64x128xf32> -> vector<64x128xf32>
    %add3A_34 = arith.addf %get3A_30, %dot_general3A_33 : vector<64x128xf32>
    %swap3A_35 = arith.constant 0 : index
    %swap3A_36 = arith.constant 0 : index
    %swap3A_37 = vector.load %arg8[%swap3A_35, %swap3A_36] : memref<64x128xf32, #tpu.memory_space<vmem>>, vector<64x128xf32>
    tpu.vector_store %arg8[%swap3A_35, %swap3A_36], %add3A_34 {strides = array<i32>} : memref<64x128xf32, #tpu.memory_space<vmem>>, vector<64x128xf32>,
    %eq3A_38 = arith.constant 39 : i32
    %eq3A_39 = arith.cmpi eq, %arg0, %eq3A_38 : i32
    %convert_element_type3A_40 = arith.extui %eq3A_39 : i1 to i32
    %cond3A_41 = arith.constant 0 : i32
    %cond3A_42 = arith.cmpi ne, %convert_element_type3A_40, %cond3A_41 : i32
    scf.if %cond3A_42 {
      %get3A_43 = arith.constant 0 : index
      %get3A_44 = arith.constant 0 : index
      %get3A_45 = vector.load %arg8[%get3A_43, %get3A_44] : memref<64x128xf32, #tpu.memory_space<vmem>>, vector<64x128xf32>
      %get3A_46 = arith.constant 0 : index
      %get3A_47 = arith.constant 0 : index
      %get3A_48 = vector.load %arg7[%get3A_46, %get3A_47] : memref<64x128xf32, #tpu.memory_space<vmem>>, vector<64x128xf32>
      %max3A = arith.constant 1.000000e+00 : f32
      %max3A_49 = vector.broadcast %max3A : f32 to vector<64x128xf32>
      %max3A_50 = arith.maximumf %get3A_45, %max3A_49 : vector<64x128xf32>
      %div3A = arith.divf %get3A_48, %max3A_50 : vector<64x128xf32>
      %get3A_51 = arith.constant 0 : index
      %get3A_52 = arith.constant 0 : index
      %get3A_53 = vector.load %arg4[%get3A_51, %get3A_52] : memref<128x128xf32, #tpu.memory_space<vmem>>, vector<128x128xf32>
      %dot_general3A_54 = arith.constant dense<0.000000e+00> : vector<64x128xf32>
      %dot_general3A_55 = tpu.matmul %div3A, %get3A_53, %dot_general3A_54 {dimension_numbers = #tpu.dot_dimension_numbers<[1], [1], [0], [0], [0, 0, 1, 0], [], []>, transpose_lhs_hint = false} : vector<64x128xf32>, vector<128x128xf32>, vector<64x128xf32> -> vector<64x128xf32>
      %gt3A = arith.constant 0.000000e+00 : f32
      %gt3A_56 = vector.broadcast %gt3A : f32 to vector<64x128xf32>
      %gt3A_57 = arith.cmpf ogt, %get3A_45, %gt3A_56 : vector<64x128xf32>
      %get3A_58 = arith.constant 0 : index
      %get3A_59 = arith.constant 0 : index
      %get3A_60 = vector.load %arg5[%get3A_58, %get3A_59] : memref<1x128xf32, #tpu.memory_space<vmem>>, vector<1x128xf32>
      %jit3A = arith.constant 0.000000e+00 : f32
      %broadcast_in_dim3A_61 = vector.shape_cast %get3A_60 : vector<1x128xf32> to vector<1x128xf32>
      %broadcast_in_dim3A_62 = vector.broadcast %broadcast_in_dim3A_61 : vector<1x128xf32> to vector<64x128xf32>
      %broadcast_in_dim3A_63 = vector.broadcast %jit3A : f32 to vector<64x128xf32>
      %select_n3A = arith.select %gt3A_57, %broadcast_in_dim3A_62, %broadcast_in_dim3A_63 : vector<64x128xi1>, vector<64x128xf32>
      %add3A_64 = arith.addf %dot_general3A_55, %select_n3A : vector<64x128xf32>
      %swap3A_65 = arith.constant 0 : index
      %swap3A_66 = arith.constant 0 : index
      %swap3A_67 = vector.load %arg6[%swap3A_65, %swap3A_66] : memref<64x128xf32, #tpu.memory_space<vmem>>, vector<64x128xf32>
      tpu.vector_store %arg6[%swap3A_65, %swap3A_66], %add3A_64 {strides = array<i32>} : memref<64x128xf32, #tpu.memory_space<vmem>>, vector<64x128xf32>,
    } else {
    }
    return
  }
  func.func @transform_0(%arg0: i32) -> (i32, i32, i32) {
    %c0_i32 = arith.constant 0 : i32
    %c0_i32_0 = arith.constant 0 : i32
    %c0_i32_1 = arith.constant 0 : i32
    return %c0_i32, %arg0, %c0_i32_0 : i32, i32, i32
  }
  func.func @transform_1(%arg0: i32) -> (i32, i32) {
    %c0_i32 = arith.constant 0 : i32
    %c0_i32_0 = arith.constant 0 : i32
    return %arg0, %c0_i32 : i32, i32
  }
  func.func @transform_2(%arg0: i32) -> (i32, i32) {
    %c0_i32 = arith.constant 0 : i32
    %c0_i32_0 = arith.constant 0 : i32
    return %arg0, %c0_i32 : i32, i32
  }
  func.func @transform_3(%arg0: i32) -> (i32, i32) {
    %c0_i32 = arith.constant 0 : i32
    %c0_i32_0 = arith.constant 0 : i32
    %c0_i32_1 = arith.constant 0 : i32
    return %c0_i32, %c0_i32_0 : i32, i32
  }
  func.func @transform_4(%arg0: i32) -> (i32, i32) {
    %c0_i32 = arith.constant 0 : i32
    %c0_i32_0 = arith.constant 0 : i32
    %c0_i32_1 = arith.constant 0 : i32
    return %c0_i32, %c0_i32_0 : i32, i32
  }
  func.func @transform_5(%arg0: i32) -> (i32, i32) {
    %c0_i32 = arith.constant 0 : i32
    %c0_i32_0 = arith.constant 0 : i32
    %c0_i32_1 = arith.constant 0 : i32
    return %c0_i32, %c0_i32_0 : i32, i32
  }
}

</mosaic_0001>

<sc_bundles>
// kernel: kernel.10.cloned.1.call-start
scs
__scs_entry_jumppad:
0x0: {  	(pc) =	sbr.rel $0x88, $3  }
0x1: {  	(tag) =	ssettag $0x0;
	lr =	simm.s32 $0x1  }
0x2: {  	[smem:$0x3F98] =	sst lr;
	_ =	strace $0xD0000000  }
0x3: {  	_ = 	snop  }
0x4: {  	_ = 	snop  }
0x5: {  	_ = 	snop  }
0x6: {  	_ = 	snop  }
0x7: {  	_ = 	snop  }
__scs_overlays_trampoline_lowered:
0x8: {  	[smem:$0x3FA7] =	sst s0  }
0x9: {  	[smem:$0x3FA8] =	sst s1  }
0xa: {  	[smem:$0x3FA9] =	sst s2  }
0xb: {  	[smem:$0x3FAA] =	sst s3  }
0xc: {  	[smem:$0x3FAB] =	sst s4  }
0xd: {  	[smem:$0x3FAC] =	sst s5  }
0xe: {  	[smem:$0x3FAD] =	sst s6  }
0xf: {  	[smem:$0x3FAE] =	sst s7  }
0x10: {  	[smem:$0x3FAF] =	sst s8  }
0x11: {  	[smem:$0x3FB0] =	sst s9;
	s0 =	simm.s32 @!p0 $0x0  }
0x12: {  	s1 =	sld [smem:$0x3F96];
	s0 =	simm.s32 @p0 $0x1  }
0x13: {  	[smem:$0x3FB1] =	sst s0;
	s0 =	simm.s32 @!p1 $0x0  }
0x14: {  	s2 =	sld [smem:$0x3F95];
	s0 =	simm.s32 @p1 $0x1  }
0x15: {  	[smem:$0x3FB2] =	sst s0;
	s0 =	simm.s32 @!p2 $0x0  }
0x16: {  	s3 =	sld [smem:$0x3FDB];
	s0 =	simm.s32 @p2 $0x1  }
0x17: {  	s4 =	simm.s32 $0x1BF5;
	[smem:$0x3FB4] =	sst s0  }
0x18: {  	s0 =	sld [smem:$0x3F97];
	_ =	swait.ge [sflag:s4], $0x0  }
0x19: {  	s7 =	sld [smem:$0x3F98]  }
0x1a: {  	s8 =	sadd.s32 $0xFFFFE003, lr  }
0x1b: {  	s9 =	sadd.s32 $0xFFFFFEF7, lr;
	s5 =	simm.s32 $0xFFFFFFFF;
	p2 =	slt.u32 s8, $0xFFFFF086  }
0x1c: {  	p1 =	slt.u32 s9, $0xF7A;
	s5 =	simm.s32 @!p2 $0x0  }
0x1d: {  	s5 =	simm.s32 @p1 $0x1;
	p0 =	seq.s32 s7, s2  }
0x1e: {  	s7 =	smul.u32 @!p0 $0xF7A, s2;
	p2 =	seq.s32 @!p0 s5, $0x0  }
0x1f: {  	s9 =	smul.u32 $0xF7A, s1;
	s8 =	simm.s32 @!p0 $0x1BF5;
	p2 =	por !p2, p0  }
0x20: {  	[sflag:s8] =	ssyncset.s32 @!p0 $0xFFFFF086;
	s6 =	sadd.s32 @!p0 s3, s7;
	s7 =	simm.s32 @!p0 $0x108  }
0x21: {  	s3 =	sadd.s32 s3, s9;
	s6 =	sadd.s32 @!p0 $0x88, s6;
	s7 =	simm.s32 @p2 $0x1082  }
0x22: {  	[simem:s7], [sflag:s8] =	dma.local @!p0 [hbm:s6], $0xF7A  }
0x23: {  	s9 =	sor.u32 $0xD0000000, s2;
	s6 =	simm.s32 $0x108;
	_ =	swait.ge @!p0 [sflag:s8], $0x0  }
0x24: {  	s3 =	sadd.s32 $0x88, s3;
	s6 =	simm.s32 @!p1 $0x1082;
	[sflag:s4] =	ssyncset.s32 $0xFFFFF086  }
0x25: {  	[simem:s6], [sflag:s4] =	dma.local [hbm:s3], $0xF7A  }
0x26: {  	[smem:$0x3F98] =	sst s1;
	(tag) =	ssettag s2;
	_ =	strace s9  }
0x27: {  	s1 =	sld [smem:$0x3FA8]  }
0x28: {  	s2 =	sld [smem:$0x3FA9]  }
0x29: {  	s4 =	sld [smem:$0x3FAB]  }
0x2a: {  	p0 =	seq.s32 s5, $0x0;
	s5 =	sld [smem:$0x3FAC]  }
0x2b: {  	s6 =	sld [smem:$0x3FAD]  }
0x2c: {  	s7 =	sld [smem:$0x3FAE]  }
0x2d: {  	s3 =	simm.s32 $0x108;
	s8 =	sld [smem:$0x3FAF]  }
0x2e: {  	s3 =	simm.s32 @!p0 $0x1082;
	s9 =	sld [smem:$0x3FB0]  }
0x2f: {  	lr =	sadd.s32 s0, s3;
	s0 =	sld [smem:$0x3FA7]  }
0x30: {  	s3 =	sld [smem:$0x3FAA]  }
0x31: {  	[smem:$0x3FB3] =	sst s10  }
0x32: {  	s10 =	sld [smem:$0x3FB1];
	_ =	sdelay $0x3  }
0x33: {  	p0 =	seq.s32 s10, $0x1;
	s10 =	sld [smem:$0x3FB3];
	_ =	sdelay $0x3  }
0x34: {  	[smem:$0x3FB3] =	sst s10  }
0x35: {  	s10 =	sld [smem:$0x3FB2];
	_ =	sdelay $0x3  }
0x36: {  	p1 =	seq.s32 s10, $0x1;
	s10 =	sld [smem:$0x3FB3];
	_ =	sdelay $0x3  }
0x37: {  	[smem:$0x3FB3] =	sst s10  }
0x38: {  	s10 =	sld [smem:$0x3FB4]  }
0x39: {  	_ = 	snop;
	(pc) =	sbr.ind lr, $3  }
0x3a: {  	_ = 	snop  }
0x3b: {  	_ = 	snop  }
0x3c: {  	p2 =	seq.s32 s10, $0x1;
	s10 =	sld [smem:$0x3FB3]  }
0x3d: {  	_ =	shalt  }
0x3e: {  	_ =	shalt  }
0x3f: {  	_ =	shalt  }
0x40: {  	_ =	shalt  }
0x41: {  	_ =	shalt  }
0x42: {  	_ =	shalt  }
0x43: {  	_ =	shalt  }
0x44: {  	_ =	shalt  }
0x45: {  	_ =	shalt  }
0x46: {  	_ =	shalt  }
0x47: {  	_ =	shalt  }
0x48: {  	_ =	shalt  }
0x49: {  	_ =	shalt  }
0x4a: {  	_ =	shalt  }
0x4b: {  	_ =	shalt  }
0x4c: {  	_ =	shalt  }
0x4d: {  	_ =	shalt  }
0x4e: {  	_ =	shalt  }
0x4f: {  	_ =	shalt  }
0x50: {  	_ =	shalt  }
0x51: {  	_ =	shalt  }
0x52: {  	_ =	shalt  }
0x53: {  	_ =	shalt  }
0x54: {  	_ =	shalt  }
0x55: {  	_ =	shalt  }
0x56: {  	_ =	shalt  }
0x57: {  	_ =	shalt  }
0x58: {  	_ =	shalt  }
0x59: {  	_ =	shalt  }
0x5a: {  	_ =	shalt  }
0x5b: {  	_ =	shalt  }
0x5c: {  	_ =	shalt  }
0x5d: {  	_ =	shalt  }
0x5e: {  	_ =	shalt  }
0x5f: {  	_ =	shalt  }
0x60: {  	_ =	shalt  }
0x61: {  	_ =	shalt  }
0x62: {  	_ =	shalt  }
0x63: {  	_ =	shalt  }
0x64: {  	_ =	shalt  }
0x65: {  	_ =	shalt  }
0x66: {  	_ =	shalt  }
0x67: {  	_ =	shalt  }
0x68: {  	_ =	shalt  }
0x69: {  	_ =	shalt  }
0x6a: {  	_ =	shalt  }
0x6b: {  	_ =	shalt  }
0x6c: {  	_ =	shalt  }
0x6d: {  	_ =	shalt  }
0x6e: {  	_ =	shalt  }
0x6f: {  	_ =	shalt  }
0x70: {  	_ =	shalt  }
0x71: {  	_ =	shalt  }
0x72: {  	_ =	shalt  }
0x73: {  	_ =	shalt  }
0x74: {  	_ =	shalt  }
0x75: {  	_ =	shalt  }
0x76: {  	_ =	shalt  }
0x77: {  	_ =	shalt  }
0x78: {  	_ =	shalt  }
0x79: {  	_ =	shalt  }
0x7a: {  	_ =	shalt  }
0x7b: {  	_ =	shalt  }
0x7c: {  	_ =	shalt  }
0x7d: {  	_ =	shalt  }
0x7e: {  	_ =	shalt  }
0x7f: {  	_ =	shalt  }
0x80: {  	_ =	shalt  }
0x81: {  	_ =	shalt  }
0x82: {  	_ =	shalt  }
0x83: {  	_ =	shalt  }
0x84: {  	_ =	shalt  }
0x85: {  	_ =	shalt  }
0x86: {  	_ =	shalt  }
0x87: {  	_ =	shalt  }
.Lfunc_end0:
.L_simem_size_0:
called_computation_lowered:
.L_overlay_start_0:
0x88: {  	s2 =	sld [smem:$0x3FD9]  }
0x89: {  	s3 =	sld [smem:$0x3FFE];
	_ =	sdelay $0x1  }
0x8a: {  	s1 =	srdreg.scid  }
0x8b: {  	s0 =	sand.u32 $0x1, s1  }
0x8c: {  	s16 =	sshll.u32 s0, $0xA;
	s2 =	sadd.s32 s3, s2  }
0x8d: {  	s2 =	sadd.s32 s2, s16  }
0x8e: {  	[smem:$0x3FBF] =	sst s2  }
0x8f: {  	_ = 	snop  }
0x90: {  	(tm) =	ssettm $0x1  }
0x91: {  	s17 =	sld [smem:$0x3FFB];
	_ =	sdelay $0x3  }
0x92: {  	_ =	strace s17  }
0x93: {  	s2 =	sld [smem:$0x3FFC];
	_ =	sdelay $0x3  }
0x94: {  	_ =	strace s2  }
0x95: {  	s2 =	sld [smem:$0x3FFD];
	_ =	sdelay $0x3  }
0x96: {  	_ =	strace s2  }
0x97: {  	_ =	strace $0x8FFFFFFF  }
0x98: {  	s18 =	sld [smem:$0x3FDB];
	_ =	sdelay $0x1  }
0x99: {  	s19 =	simm.s32 $_scs_section_size  }
0x9a: {  	s4 =	simm.s32 $_size__tile_overlayer_lowered;
	s5 =	simm.s32 $_tile_overlayer_lowered  }
0x9b: {  	s22 =	simm.s32 $0x1BFF;
	s21 =	sshll.u32 s5, $0x1;
	s2 =	sadd.s32 s19, s18  }
0x9c: {  	s6 =	simm.s32 $0x0;
	s20 =	sshll.u32 s4, $0x1;
	s4 =	sadd.s32 s21, s2  }
0x9d: {  	[timem:s6], [sflag:s22] =	dma.local [hbm:s4], s20  }
0x9e: {  	_ =	swait.ge [sflag:s22], s20  }
0x9f: {  	s3 =	ssub.s32 $0x0, s20;
	[sflag:s22] =	ssyncset.done $0x0  }
0xa0: {  	[sflag:s22] =	ssyncadd.s32 s3;
	_ =	sdelay $0x1  }
0xa1: {  	s23 =	simm.s32 $0x1B8B  }
0xa2: {  	_ =	swait.ge [sflag:s23], $0x1  }
0xa3: {  	[sflag:s23] =	ssyncset.done $0x0  }
0xa4: {  	s25 =	simm.s32 $0x1B8E;
	s24 =	sld [smem:$0x3FFE];
	[sflag:s23] =	ssyncadd.s32 $0xFFFFFFFF  }
0xa5: {  	s26 =	simm.s32 $execute0_lowered;
	[smem:$0x3FD2] =	sst s25  }
0xa6: {  	s4 =	sshll.u32 s26, $0x1;
	_ =	strace $0x80000046;
	[dreg:$0x1] =	wrdreg $0xFFFFFFFF  }
0xa7: {  	s28 =	simm.s32 $_size_execute0_lowered;
	s2 =	sadd.s32 s2, s4;
	[dreg:$0x0] =	wrdreg $0x0  }
0xa8: {  	s4 =	sshll.u32 s28, $0x1;
	[dreg:$0x2] =	wrdreg s2  }
0xa9: {  	[dreg:$0x3] =	wrdreg s4  }
0xaa: {  	[dreg:$0x4] =	wrdreg $0xC0  }
0xab: {  	_ =	task [dreg:s6], $0x5FFFF  }
0xac: {  	[dreg:$0x1] =	wrdreg $0xFFFFFFFF  }
0xad: {  	[dreg:$0x0] =	wrdreg $0x60  }
0xae: {  	[dreg:$0x2] =	wrdreg s24  }
0xaf: {  	[dreg:$0x3] =	wrdreg $0x9  }
0xb0: {  	_ =	task.clear_ibuf [dreg:s6], $0x4FFFF;
	_ =	strace $0x90000046  }
0xb1: {  	s29 =	simm.s32 $0x9;
	_ =	strace $0x80000048  }
0xb2: {  	_ =	swait.ge [sflag:s29], $0x1  }
0xb3: {  	[sflag:s29] =	ssyncadd.s32 $0xFFFFFFFF  }
0xb4: {  	_ =	strace $0x90000048  }
0xb5: {  	_ =	sfence  }
0xb6: {  	s30 =	sld [smem:$0x0];
	_ =	sdelay $0x2  }
0xb7: {  	s31 =	sshll.u32 s1, $0xD;
	s1 =	sshrl.u32 s1, $0x2  }
0xb8: {  	s3 =	sand.u32 $0x4000, s31;
	s1 =	sadd.s32 s1, s30  }
0xb9: {  	s0 =	sor.u32 s3, s0;
	s1 =	sshll.u32 s1, $0x11  }
0xba: {  	s0 =	sor.u32 s1, s0  }
0xbb: {  	s0 =	sadd.s32 $0x8F2B, s0  }
0xbc: {  	[sflag:s0] =	ssyncadd.remote.s32 $0x1  }
0xbd: {  	_ =	sfence.sel $0xFFFF  }
0xbe: {  	[dreg:$0x0] =	wrdreg $0xFFFFFFFF;
	(pc) =	sbr.abs _section_cstart, $3  }
0xbf: {  	[dreg:$0x1] =	wrdreg $0xFFFFFFFF  }
0xc0: {  	_ =	task.clear_ibuf [dreg:s6], $0x2FFFF;
	_ =	strace $0x9FFFFFFF  }
0xc1: {  	(tm) =	ssettm $0x7FFFFFFF  }
tec
execute0_lowered:
.L_overlay_start_1:
0x0: {  	(tag) =	ssettag $0x1  }
0x1: {  	s0 =	srdreg.scid  }
0x2: {  	s3 =	sand.u32 $0x1, s0  }
0x3: {  	s0 =	stileid.u32;
	s1 =	sshll.u32 s3, $0x4  }
0x4: {  	s6 =	rddreg [dreg:$0x0];
	s2 =	simm.s32 $0x0;
	s4 =	sor.u32 s0, s1  }
0x5: {  	s8 =	simm.s32 $0x400;
	s9 =	simm.s32 $0x1;
	s1 =	sshrl.u32 s4, $0x3  }
0x6: {  	s10 =	simm.s32 $0x2880;
	s29 =	sshll.u32 s0, $0x7;
	s5 =	smul.u32 $0x14400, s1  }
0x7: {  	s11 =	simm.s32 $0x0;
	[smem:$0x7FF] =	sst s2;
	s7 =	sand.u32 $0x380, s29  }
0x8: {  	s30 =	ssub.s32 $0x2, s3;
	s3 =	sadd.s32 $0xCE00, s6;
	s5 =	sor.u32 s7, s5  }
0x9: {  	s31 =	sshrl.u32 s30, $0x1;
	s4 =	smul.u32 $0x2800, s4;
	s5 =	sshrl.u32 s5, $0x3  }
0xa: {  	s1 =	rddreg [dreg:$0x1];
	_ =	strace $0x80000047;
	s5 =	sadd.s32 s5, s6  }
0xb: {  	s7 =	ssub.s32 s30, s31;
	s6 =	sadd.s32 s4, s6;
	s4 =	sadd.s32 $0x2C00, s5  }
0xc: {  	v0 =	vimm.f32 $1.000000000e+00;
	s5 =	sadd.s32 $0xF600, s6;
	s6 =	smax.u32 s7, $0x1;
	s7 =	simm.s32 $0x80  }
.LBB2_1:
0xd: {  	[tilespmem:s2], [sflag:$0x1] =	stream.strided.gather [hbm4b:s4+s7], $0x2880, s8, s7, $0x38;
	[tilespmem:$0x16880] =	vst v63  }
0xe: {  	_ =	swait.ge [sflag:s9], $0x2880  }
0xf: {  	[sflag:s9] =	ssyncset.done $0x0  }
0x10: {  	[sflag:s9] =	ssyncadd.s32 $0xFFFFD780  }
0x11: {  	[tilespmem:s10], [sflag:$0x1] =	stream.linear.gather [hbm4b:s3+s2], $0x14000, $0x38;
	[tilespmem:$0x16880] =	vst v63  }
0x12: {  	_ =	swait.ge [sflag:s9], $0x14000  }
0x13: {  	[sflag:s9] =	ssyncset.done $0x0  }
0x14: {  	s13 =	simm.s32 $0x0;
	s12 =	simm.s32 $0x40;
	[sflag:s9] =	ssyncadd.s32 $0xFFFEC000  }
.LBB2_2:
0x15: {  	p0 =	sne.s32 s12, $0xA1C0;
	v1 =	vld [tilespmem:s13+$0x0];
	_ =	sdelay $0x4  }
0x16: {  	v2 =	vshll.u32 v1, $0x3  }
0x17: {  	v1 =	vand.u32 $0xF, v1;
	v2 =	vand.u32 $0xFFFFFF80, v2  }
0x18: {  	v1 =	vor.u32 v1, v2  }
.Ltmp0:
0x19: {  	(pc) =	sbr.rel @p0 .LBB2_2-.Ltmp0, $2  }
0x1a: {  	_ =	sdelay $0x2  }
0x1b: {  	s13 =	sshra.s32 s12, $0x2;
	s12 =	sadd.s32 $0x40, s12;
	[tilespmem:v1+s10+$0x0] =	vst.idx.add.f32.msk $0xffff, v0  }
0x1c: {  	v1 =	vld [tilespmem:s13+$0x0];
	_ =	sdelay $0x4  }
0x1d: {  	v2 =	vshll.u32 v1, $0x3  }
0x1e: {  	v1 =	vand.u32 $0xF, v1;
	v2 =	vand.u32 $0xFFFFFF80, v2  }
0x1f: {  	v1 =	vor.u32 v1, v2;
	_ =	sdelay $0x2  }
0x20: {  	s11 =	sadd.s32 $0x1, s11  }
0x21: {  	p0 =	sne.s32 s11, s6  }
.Ltmp1:
0x22: {  	[tilespmem:v1+s10+$0x0] =	vst.idx.add.f32.msk $0xffff, v0;
	(pc) =	sbr.rel @p0 .LBB2_1-.Ltmp1, $4  }
0x23: {  	[hbm4b:s5+s2] =	stream.linear.scatter [tilespmem:s10], [sflag:$0x1], $0x14000, $0x38;
	[tilespmem:$0x16880] =	vst v63  }
0x24: {  	_ =	swait.ge [sflag:s9], $0x14000  }
0x25: {  	[sflag:s9] =	ssyncset.done $0x0  }
0x26: {  	[sflag:s9] =	ssyncadd.s32 $0xFFFEC000  }
0x27: {  	_ =	sfence.sel $0x180000  }
0x28: {  	[bflag:$0x0] =	sbarrier.arrive $0xFFFF  }
0x29: {  	p0 =	sne.s32 s0, $0x0;
	_ =	strace $0x90000047  }
0x2a: {  	s0 =	sadd.s32 @!p0 $0x100000, s1;
	[bflag:$0x2] =	sbarrier.arrive $0xFFFF  }
0x2b: {  	[sflag:s0] =	ssyncadd.tile.s32 @!p0 $0x1;
	_ =	shalt  }
.Lfunc_end2:
_tile_overlayer_lowered:
.L_overlay_start_2:
0x2c: {  	(tag) =	ssettag $0x2  }
0x2d: {  	s0 =	rddreg [dreg:$0x0];
	s2 =	stileid.u32  }
0x2e: {  	s1 =	rddreg [dreg:$0x1];
	p0 =	sne.s32 s2, $0x0  }
0x2f: {  	s3 =	rddreg [dreg:$0x2];
	[bflag:$0x3] =	sbarrier.arrive $0xFFFF;
	s2 =	simm.s32 @!p0 $0x1C01  }
0x30: {  	[timem:s3], [sflag:s2] =	dma.local @!p0 [hbm:s0], s1  }
0x31: {  	s0 =	simm.s32 @!p0 $0x1  }
0x32: {  	_ =	swait.ge @!p0 [sflag:s0], s1  }
0x33: {  	s1 =	ssub.s32 @!p0 $0x0, s1;
	[sflag:s0] =	ssyncset.done @!p0 $0x0  }
0x34: {  	[sflag:s0] =	ssyncadd.s32 @!p0 s1  }
0x35: {  	[bflag:$0x3] =	sbarrier.arrive $0xFFFF  }
0x36: {  	_ =	shalt  }

// kernel: kernel.13.cloned.1.call-start
scs
__scs_entry_jumppad:
0x0: {  	(pc) =	sbr.rel $0x88, $3  }
0x1: {  	(tag) =	ssettag $0x0;
	lr =	simm.s32 $0x1  }
0x2: {  	[smem:$0x3F98] =	sst lr;
	_ =	strace $0xD0000000  }
0x3: {  	_ = 	snop  }
0x4: {  	_ = 	snop  }
0x5: {  	_ = 	snop  }
0x6: {  	_ = 	snop  }
0x7: {  	_ = 	snop  }
__scs_overlays_trampoline_lowered:
0x8: {  	[smem:$0x3FA7] =	sst s0  }
0x9: {  	[smem:$0x3FA8] =	sst s1  }
0xa: {  	[smem:$0x3FA9] =	sst s2  }
0xb: {  	[smem:$0x3FAA] =	sst s3  }
0xc: {  	[smem:$0x3FAB] =	sst s4  }
0xd: {  	[smem:$0x3FAC] =	sst s5  }
0xe: {  	[smem:$0x3FAD] =	sst s6  }
0xf: {  	[smem:$0x3FAE] =	sst s7  }
0x10: {  	[smem:$0x3FAF] =	sst s8  }
0x11: {  	[smem:$0x3FB0] =	sst s9;
	s0 =	simm.s32 @!p0 $0x0  }
0x12: {  	s1 =	sld [smem:$0x3F96];
	s0 =	simm.s32 @p0 $0x1  }
0x13: {  	[smem:$0x3FB1] =	sst s0;
	s0 =	simm.s32 @!p1 $0x0  }
0x14: {  	s2 =	sld [smem:$0x3F95];
	s0 =	simm.s32 @p1 $0x1  }
0x15: {  	[smem:$0x3FB2] =	sst s0;
	s0 =	simm.s32 @!p2 $0x0  }
0x16: {  	s3 =	sld [smem:$0x3FDB];
	s0 =	simm.s32 @p2 $0x1  }
0x17: {  	s4 =	simm.s32 $0x1BF5;
	[smem:$0x3FB4] =	sst s0  }
0x18: {  	s0 =	sld [smem:$0x3F97];
	_ =	swait.ge [sflag:s4], $0x0  }
0x19: {  	s7 =	sld [smem:$0x3F98]  }
0x1a: {  	s8 =	sadd.s32 $0xFFFFE003, lr  }
0x1b: {  	s9 =	sadd.s32 $0xFFFFFEF7, lr;
	s5 =	simm.s32 $0xFFFFFFFF;
	p2 =	slt.u32 s8, $0xFFFFF086  }
0x1c: {  	p1 =	slt.u32 s9, $0xF7A;
	s5 =	simm.s32 @!p2 $0x0  }
0x1d: {  	s5 =	simm.s32 @p1 $0x1;
	p0 =	seq.s32 s7, s2  }
0x1e: {  	s7 =	smul.u32 @!p0 $0xF7A, s2;
	p2 =	seq.s32 @!p0 s5, $0x0  }
0x1f: {  	s9 =	smul.u32 $0xF7A, s1;
	s8 =	simm.s32 @!p0 $0x1BF5;
	p2 =	por !p2, p0  }
0x20: {  	[sflag:s8] =	ssyncset.s32 @!p0 $0xFFFFF086;
	s6 =	sadd.s32 @!p0 s3, s7;
	s7 =	simm.s32 @!p0 $0x108  }
0x21: {  	s3 =	sadd.s32 s3, s9;
	s6 =	sadd.s32 @!p0 $0x88, s6;
	s7 =	simm.s32 @p2 $0x1082  }
0x22: {  	[simem:s7], [sflag:s8] =	dma.local @!p0 [hbm:s6], $0xF7A  }
0x23: {  	s9 =	sor.u32 $0xD0000000, s2;
	s6 =	simm.s32 $0x108;
	_ =	swait.ge @!p0 [sflag:s8], $0x0  }
0x24: {  	s3 =	sadd.s32 $0x88, s3;
	s6 =	simm.s32 @!p1 $0x1082;
	[sflag:s4] =	ssyncset.s32 $0xFFFFF086  }
0x25: {  	[simem:s6], [sflag:s4] =	dma.local [hbm:s3], $0xF7A  }
0x26: {  	[smem:$0x3F98] =	sst s1;
	(tag) =	ssettag s2;
	_ =	strace s9  }
0x27: {  	s1 =	sld [smem:$0x3FA8]  }
0x28: {  	s2 =	sld [smem:$0x3FA9]  }
0x29: {  	s4 =	sld [smem:$0x3FAB]  }
0x2a: {  	p0 =	seq.s32 s5, $0x0;
	s5 =	sld [smem:$0x3FAC]  }
0x2b: {  	s6 =	sld [smem:$0x3FAD]  }
0x2c: {  	s7 =	sld [smem:$0x3FAE]  }
0x2d: {  	s3 =	simm.s32 $0x108;
	s8 =	sld [smem:$0x3FAF]  }
0x2e: {  	s3 =	simm.s32 @!p0 $0x1082;
	s9 =	sld [smem:$0x3FB0]  }
0x2f: {  	lr =	sadd.s32 s0, s3;
	s0 =	sld [smem:$0x3FA7]  }
0x30: {  	s3 =	sld [smem:$0x3FAA]  }
0x31: {  	[smem:$0x3FB3] =	sst s10  }
0x32: {  	s10 =	sld [smem:$0x3FB1];
	_ =	sdelay $0x3  }
0x33: {  	p0 =	seq.s32 s10, $0x1;
	s10 =	sld [smem:$0x3FB3];
	_ =	sdelay $0x3  }
0x34: {  	[smem:$0x3FB3] =	sst s10  }
0x35: {  	s10 =	sld [smem:$0x3FB2];
	_ =	sdelay $0x3  }
0x36: {  	p1 =	seq.s32 s10, $0x1;
	s10 =	sld [smem:$0x3FB3];
	_ =	sdelay $0x3  }
0x37: {  	[smem:$0x3FB3] =	sst s10  }
0x38: {  	s10 =	sld [smem:$0x3FB4]  }
0x39: {  	_ = 	snop;
	(pc) =	sbr.ind lr, $3  }
0x3a: {  	_ = 	snop  }
0x3b: {  	_ = 	snop  }
0x3c: {  	p2 =	seq.s32 s10, $0x1;
	s10 =	sld [smem:$0x3FB3]  }
0x3d: {  	_ =	shalt  }
0x3e: {  	_ =	shalt  }
0x3f: {  	_ =	shalt  }
0x40: {  	_ =	shalt  }
0x41: {  	_ =	shalt  }
0x42: {  	_ =	shalt  }
0x43: {  	_ =	shalt  }
0x44: {  	_ =	shalt  }
0x45: {  	_ =	shalt  }
0x46: {  	_ =	shalt  }
0x47: {  	_ =	shalt  }
0x48: {  	_ =	shalt  }
0x49: {  	_ =	shalt  }
0x4a: {  	_ =	shalt  }
0x4b: {  	_ =	shalt  }
0x4c: {  	_ =	shalt  }
0x4d: {  	_ =	shalt  }
0x4e: {  	_ =	shalt  }
0x4f: {  	_ =	shalt  }
0x50: {  	_ =	shalt  }
0x51: {  	_ =	shalt  }
0x52: {  	_ =	shalt  }
0x53: {  	_ =	shalt  }
0x54: {  	_ =	shalt  }
0x55: {  	_ =	shalt  }
0x56: {  	_ =	shalt  }
0x57: {  	_ =	shalt  }
0x58: {  	_ =	shalt  }
0x59: {  	_ =	shalt  }
0x5a: {  	_ =	shalt  }
0x5b: {  	_ =	shalt  }
0x5c: {  	_ =	shalt  }
0x5d: {  	_ =	shalt  }
0x5e: {  	_ =	shalt  }
0x5f: {  	_ =	shalt  }
0x60: {  	_ =	shalt  }
0x61: {  	_ =	shalt  }
0x62: {  	_ =	shalt  }
0x63: {  	_ =	shalt  }
0x64: {  	_ =	shalt  }
0x65: {  	_ =	shalt  }
0x66: {  	_ =	shalt  }
0x67: {  	_ =	shalt  }
0x68: {  	_ =	shalt  }
0x69: {  	_ =	shalt  }
0x6a: {  	_ =	shalt  }
0x6b: {  	_ =	shalt  }
0x6c: {  	_ =	shalt  }
0x6d: {  	_ =	shalt  }
0x6e: {  	_ =	shalt  }
0x6f: {  	_ =	shalt  }
0x70: {  	_ =	shalt  }
0x71: {  	_ =	shalt  }
0x72: {  	_ =	shalt  }
0x73: {  	_ =	shalt  }
0x74: {  	_ =	shalt  }
0x75: {  	_ =	shalt  }
0x76: {  	_ =	shalt  }
0x77: {  	_ =	shalt  }
0x78: {  	_ =	shalt  }
0x79: {  	_ =	shalt  }
0x7a: {  	_ =	shalt  }
0x7b: {  	_ =	shalt  }
0x7c: {  	_ =	shalt  }
0x7d: {  	_ =	shalt  }
0x7e: {  	_ =	shalt  }
0x7f: {  	_ =	shalt  }
0x80: {  	_ =	shalt  }
0x81: {  	_ =	shalt  }
0x82: {  	_ =	shalt  }
0x83: {  	_ =	shalt  }
0x84: {  	_ =	shalt  }
0x85: {  	_ =	shalt  }
0x86: {  	_ =	shalt  }
0x87: {  	_ =	shalt  }
.Lfunc_end0:
.L_simem_size_0:
called_computation.1_lowered:
.L_overlay_start_0:
0x88: {  	s2 =	sld [smem:$0x3FD9]  }
0x89: {  	s3 =	sld [smem:$0x3FFE];
	_ =	sdelay $0x1  }
0x8a: {  	s1 =	srdreg.scid  }
0x8b: {  	s0 =	sand.u32 $0x1, s1  }
0x8c: {  	s16 =	sshll.u32 s0, $0xA;
	s2 =	sadd.s32 s3, s2  }
0x8d: {  	s2 =	sadd.s32 s2, s16  }
0x8e: {  	[smem:$0x3FBF] =	sst s2  }
0x8f: {  	_ = 	snop  }
0x90: {  	(tm) =	ssettm $0x1  }
0x91: {  	s17 =	sld [smem:$0x3FFB];
	_ =	sdelay $0x3  }
0x92: {  	_ =	strace s17  }
0x93: {  	s2 =	sld [smem:$0x3FFC];
	_ =	sdelay $0x3  }
0x94: {  	_ =	strace s2  }
0x95: {  	s2 =	sld [smem:$0x3FFD];
	_ =	sdelay $0x3  }
0x96: {  	_ =	strace s2  }
0x97: {  	_ =	strace $0x8FFFFFFF  }
0x98: {  	s18 =	sld [smem:$0x3FDB];
	_ =	sdelay $0x1  }
0x99: {  	s19 =	simm.s32 $_scs_section_size  }
0x9a: {  	s4 =	simm.s32 $_size__tile_overlayer_lowered;
	s5 =	simm.s32 $_tile_overlayer_lowered  }
0x9b: {  	s22 =	simm.s32 $0x1BFF;
	s21 =	sshll.u32 s5, $0x1;
	s2 =	sadd.s32 s19, s18  }
0x9c: {  	s6 =	simm.s32 $0x0;
	s20 =	sshll.u32 s4, $0x1;
	s4 =	sadd.s32 s21, s2  }
0x9d: {  	[timem:s6], [sflag:s22] =	dma.local [hbm:s4], s20  }
0x9e: {  	_ =	swait.ge [sflag:s22], s20  }
0x9f: {  	s3 =	ssub.s32 $0x0, s20;
	[sflag:s22] =	ssyncset.done $0x0  }
0xa0: {  	[sflag:s22] =	ssyncadd.s32 s3;
	_ =	sdelay $0x1  }
0xa1: {  	s23 =	simm.s32 $0x1B8B  }
0xa2: {  	_ =	swait.ge [sflag:s23], $0x1  }
0xa3: {  	[sflag:s23] =	ssyncset.done $0x0  }
0xa4: {  	s25 =	simm.s32 $0x1B8E;
	s24 =	sld [smem:$0x3FFE];
	[sflag:s23] =	ssyncadd.s32 $0xFFFFFFFF  }
0xa5: {  	s26 =	simm.s32 $execute0_lowered;
	[smem:$0x3FD2] =	sst s25  }
0xa6: {  	s4 =	sshll.u32 s26, $0x1;
	_ =	strace $0x80000049;
	[dreg:$0x1] =	wrdreg $0xFFFFFFFF  }
0xa7: {  	s28 =	simm.s32 $_size_execute0_lowered;
	s2 =	sadd.s32 s2, s4;
	[dreg:$0x0] =	wrdreg $0x0  }
0xa8: {  	s4 =	sshll.u32 s28, $0x1;
	[dreg:$0x2] =	wrdreg s2  }
0xa9: {  	[dreg:$0x3] =	wrdreg s4  }
0xaa: {  	[dreg:$0x4] =	wrdreg $0xC0  }
0xab: {  	_ =	task [dreg:s6], $0x5FFFF  }
0xac: {  	[dreg:$0x1] =	wrdreg $0xFFFFFFFF  }
0xad: {  	[dreg:$0x0] =	wrdreg $0x60  }
0xae: {  	[dreg:$0x2] =	wrdreg s24  }
0xaf: {  	[dreg:$0x3] =	wrdreg $0x98000  }
0xb0: {  	[dreg:$0x4] =	wrdreg $0x9  }
0xb1: {  	_ =	task.clear_ibuf [dreg:s6], $0x5FFFF;
	_ =	strace $0x90000049  }
0xb2: {  	s29 =	simm.s32 $0x9;
	_ =	strace $0x8000004B  }
0xb3: {  	_ =	swait.ge [sflag:s29], $0x1  }
0xb4: {  	[sflag:s29] =	ssyncadd.s32 $0xFFFFFFFF  }
0xb5: {  	_ =	strace $0x9000004B  }
0xb6: {  	_ =	sfence  }
0xb7: {  	s30 =	sld [smem:$0x0];
	_ =	sdelay $0x2  }
0xb8: {  	s31 =	sshll.u32 s1, $0xD;
	s1 =	sshrl.u32 s1, $0x2  }
0xb9: {  	s3 =	sand.u32 $0x4000, s31;
	s1 =	sadd.s32 s1, s30  }
0xba: {  	s0 =	sor.u32 s3, s0;
	s1 =	sshll.u32 s1, $0x11  }
0xbb: {  	s0 =	sor.u32 s1, s0  }
0xbc: {  	s0 =	sadd.s32 $0x8F2B, s0  }
0xbd: {  	[sflag:s0] =	ssyncadd.remote.s32 $0x1  }
0xbe: {  	_ =	sfence.sel $0xFFFF  }
0xbf: {  	[dreg:$0x0] =	wrdreg $0xFFFFFFFF;
	(pc) =	sbr.abs _section_cstart, $3  }
0xc0: {  	[dreg:$0x1] =	wrdreg $0xFFFFFFFF  }
0xc1: {  	_ =	task.clear_ibuf [dreg:s6], $0x2FFFF;
	_ =	strace $0x9FFFFFFF  }
0xc2: {  	(tm) =	ssettm $0x7FFFFFFF  }
0xc3: {  	_ =	shalt  }
tec
execute0_lowered:
.L_overlay_start_1:
0x0: {  	(tag) =	ssettag $0x1  }
0x1: {  	s6 =	rddreg [dreg:$0x0]  }
0x2: {  	s0 =	srdreg.scid;
	s2 =	rddreg [dreg:$0x1];
	s3 =	simm.s32 $0x0  }
0x3: {  	s18 =	simm.s32 $0x80;
	s19 =	simm.s32 $0x5800;
	s20 =	simm.s32 $0x1  }
0x4: {  	s21 =	simm.s32 $0x3;
	s5 =	sand.u32 $0x1, s0;
	s0 =	stileid.u32  }
0x5: {  	s23 =	simm.s32 $0x0;
	[smem:$0x7FF] =	sst s3;
	s8 =	smul.u32 $0x140000, s5  }
0x6: {  	s4 =	sadd.s32 $0x2C00, s6;
	s1 =	sshll.u32 s5, $0x4;
	s9 =	smul.u32 $0x14000, s0  }
0x7: {  	s30 =	ssub.s32 $0x2, s5;
	s10 =	smul.u32 $0x50000, s0;
	s5 =	sadd.s32 $0x2AC00, s6  }
0x8: {  	s22 =	sshll.u32 s0, $0x6;
	s1 =	sor.u32 s0, s1;
	s11 =	sshrl.u32 s30, $0x1  }
0x9: {  	s7 =	smul.u32 $0x580, s1;
	s1 =	rddreg [dreg:$0x2];
	_ =	strace $0x8000004A  }
0xa: {  	s8 =	sadd.s32 s9, s8;
	s11 =	ssub.s32 s30, s11;
	s31 =	sshrl.u32 s10, $0x2  }
0xb: {  	s8 =	sshrl.u32 s8, $0x3;
	s13 =	sadd.s32 s31, s2;
	s10 =	smax.u32 s11, $0x1  }
0xc: {  	s11 =	simm.s32 $0x2C00;
	s7 =	sadd.s32 s7, s6;
	s12 =	sadd.s32 s8, s6  }
0xd: {  	s8 =	sor.u32 $0x1C02, s22;
	s14 =	sadd.s32 $0x4000, s13;
	s15 =	sadd.s32 $0x8000, s13  }
0xe: {  	s16 =	sadd.s32 $0xC000, s13;
	s17 =	sadd.s32 $0x10000, s13;
	s22 =	sor.u32 $0x1C03, s22  }
0xf: {  	s6 =	sadd.s32 $0x6A600, s7;
	s7 =	sadd.s32 $0x5F600, s7;
	s9 =	sadd.s32 $0x75600, s12  }
0x10: {  	s12 =	sshrl.u32 s13, $0x3;
	s13 =	sshrl.u32 s14, $0x3;
	s14 =	sshrl.u32 s15, $0x3  }
0x11: {  	s15 =	sshrl.u32 s16, $0x3;
	s16 =	sshrl.u32 s17, $0x3;
	s17 =	simm.s32 $0x2  }
.LBB2_1:
0x12: {  	[tilespmem:s3], [sflag:$0x2] =	stream.linear.gather [hbm4b:s6+s3], $0x2880, $0x38;
	[tilespmem:$0x1D800] =	vst v63  }
0x13: {  	_ = 	snop  }
0x14: {  	[tilespmem:s11], [sflag:$0x2] =	stream.linear.gather [hbm4b:s7+s3], $0x2880, $0x38;
	[tilespmem:$0x1D800] =	vst v63  }
0x15: {  	[spmem:s12], [sflag:s8] =	dma.local [hbm:s5], $0x800  }
0x16: {  	[spmem:s13], [sflag:s8] =	dma.local [hbm:s5], $0x800  }
0x17: {  	[spmem:s14], [sflag:s8] =	dma.local [hbm:s5], $0x800  }
0x18: {  	[spmem:s15], [sflag:s8] =	dma.local [hbm:s5], $0x800  }
0x19: {  	[spmem:s16], [sflag:s8] =	dma.local [hbm:s5], $0x800  }
0x1a: {  	_ =	swait.ge [sflag:s17], $0x2880  }
0x1b: {  	[sflag:s17] =	ssyncset.done $0x0  }
0x1c: {  	[sflag:s17] =	ssyncadd.s32 $0xFFFFD780  }
0x1d: {  	_ =	swait.ge [sflag:s17], $0x2880  }
0x1e: {  	[sflag:s17] =	ssyncset.done $0x0  }
0x1f: {  	[sflag:s17] =	ssyncadd.s32 $0xFFFFD780  }
0x20: {  	_ =	swait.ge [sflag:s17], $0x800  }
0x21: {  	[sflag:s17] =	ssyncset.done $0x0  }
0x22: {  	[sflag:s17] =	ssyncadd.s32 $0xFFFFF800  }
0x23: {  	_ =	swait.ge [sflag:s17], $0x800  }
0x24: {  	[sflag:s17] =	ssyncset.done $0x0  }
0x25: {  	[sflag:s17] =	ssyncadd.s32 $0xFFFFF800  }
0x26: {  	_ =	swait.ge [sflag:s17], $0x800  }
0x27: {  	[sflag:s17] =	ssyncset.done $0x0  }
0x28: {  	[sflag:s17] =	ssyncadd.s32 $0xFFFFF800  }
0x29: {  	_ =	swait.ge [sflag:s17], $0x800  }
0x2a: {  	[sflag:s17] =	ssyncset.done $0x0  }
0x2b: {  	[sflag:s17] =	ssyncadd.s32 $0xFFFFF800  }
0x2c: {  	_ =	swait.ge [sflag:s17], $0x800  }
0x2d: {  	[sflag:s17] =	ssyncset.done $0x0  }
0x2e: {  	[sflag:s17] =	ssyncadd.s32 $0xFFFFF800  }
0x2f: {  	s24 =	simm.s32 $0x0;
	[bflag:$0x0] =	sbarrier.arrive $0xFFFF  }
0x30: {  	[tilespmem:s19], [sflag:$0x1] =	stream.indirect.gather [hbm4b:s4+s18], $0x80, s24, s18, $0xb8;
	[tilespmem:$0x1D800] =	vst v63  }
0x31: {  	_ =	swait.ge [sflag:s20], $0x4000  }
0x32: {  	[sflag:s20] =	ssyncset.done $0x0  }
0x33: {  	s31 =	simm.s32 $0x2C00;
	[sflag:s20] =	ssyncadd.s32 $0xFFFFC000  }
0x34: {  	[spmem:s2] =	stream.indirect.scatter.add.f32 [tilespmem:s19], [sflag:$0x3], $0x80, s31, s18, $0xb8;
	[tilespmem:$0x1D800] =	vst v63  }
0x35: {  	_ =	swait.ge [sflag:s21], $0x4000  }
0x36: {  	s25 =	simm.s32 $0x400;
	s24 =	simm.s32 $0x200;
	[sflag:s21] =	ssyncset.done $0x0  }
.LBB2_2:
0x37: {  	s26 =	sshra.s32 s24, $0x2  }
0x38: {  	[sflag:s21] =	ssyncadd.s32 $0xFFFFC000;
	s24 =	smov.u32 s25;
	s28 =	sadd.s32 $0x200, s25  }
0x39: {  	[tilespmem:s19], [sflag:$0x1] =	stream.indirect.gather [hbm4b:s4+s18], $0x80, s26, s18, $0xb8;
	[tilespmem:$0x1D800] =	vst v63  }
0x3a: {  	p0 =	sne.s32 s25, $0xA000;
	_ =	swait.ge [sflag:s20], $0x4000  }
.Ltmp0:
0x3b: {  	[sflag:s20] =	ssyncset.done $0x0;
	(pc) =	sbr.rel @p0 .LBB2_2-.Ltmp0, $4  }
0x3c: {  	s25 =	sadd.s32 $0x2C00, s26;
	[sflag:s20] =	ssyncadd.s32 $0xFFFFC000  }
0x3d: {  	[spmem:s2] =	stream.indirect.scatter.add.f32 [tilespmem:s19], [sflag:$0x3], $0x80, s25, s18, $0xb8;
	[tilespmem:$0x1D800] =	vst v63  }
0x3e: {  	_ =	swait.ge [sflag:s21], $0x4000  }
0x3f: {  	s25 =	smov.u32 s28;
	[sflag:s21] =	ssyncset.done $0x0  }
0x40: {  	s24 =	sshra.s32 s24, $0x2;
	[sflag:s21] =	ssyncadd.s32 $0xFFFFC000  }
0x41: {  	[tilespmem:s19], [sflag:$0x1] =	stream.indirect.gather [hbm4b:s4+s18], $0x80, s24, s18, $0xb8;
	[tilespmem:$0x1D800] =	vst v63  }
0x42: {  	_ =	swait.ge [sflag:s20], $0x4000  }
0x43: {  	[sflag:s20] =	ssyncset.done $0x0  }
0x44: {  	s24 =	sadd.s32 $0x2C00, s24;
	[sflag:s20] =	ssyncadd.s32 $0xFFFFC000  }
0x45: {  	[spmem:s2] =	stream.indirect.scatter.add.f32 [tilespmem:s19], [sflag:$0x3], $0x80, s24, s18, $0xb8;
	[tilespmem:$0x1D800] =	vst v63  }
0x46: {  	_ =	swait.ge [sflag:s21], $0x4000  }
0x47: {  	s23 =	sadd.s32 $0x1, s23;
	[sflag:s21] =	ssyncset.done $0x0  }
0x48: {  	p0 =	sne.s32 s23, s10;
	[sflag:s21] =	ssyncadd.s32 $0xFFFFC000  }
.Ltmp1:
0x49: {  	[bflag:$0x0] =	sbarrier.arrive $0xFFFF;
	(pc) =	sbr.rel @p0 .LBB2_1-.Ltmp1, $4  }
0x4a: {  	[hbm:s9], [sflag:s22] =	dma.local [spmem:s12], $0x2800  }
0x4b: {  	_ =	swait.ge [sflag:s21], $0x2800  }
0x4c: {  	[sflag:s21] =	ssyncset.done $0x0  }
0x4d: {  	[sflag:s21] =	ssyncadd.s32 $0xFFFFD800  }
0x4e: {  	_ =	sfence.sel $0x180000  }
0x4f: {  	[bflag:$0x0] =	sbarrier.arrive $0xFFFF  }
0x50: {  	p0 =	sne.s32 s0, $0x0;
	_ =	strace $0x9000004A  }
0x51: {  	s0 =	sadd.s32 @!p0 $0x100000, s1;
	[bflag:$0x2] =	sbarrier.arrive $0xFFFF  }
0x52: {  	[sflag:s0] =	ssyncadd.tile.s32 @!p0 $0x1;
	_ =	shalt  }
.Lfunc_end2:
_tile_overlayer_lowered:
.L_overlay_start_2:
0x53: {  	(tag) =	ssettag $0x2  }
0x54: {  	s0 =	rddreg [dreg:$0x0];
	s2 =	stileid.u32  }
0x55: {  	s1 =	rddreg [dreg:$0x1];
	p0 =	sne.s32 s2, $0x0  }
0x56: {  	s3 =	rddreg [dreg:$0x2];
	[bflag:$0x3] =	sbarrier.arrive $0xFFFF;
	s2 =	simm.s32 @!p0 $0x1C03  }
0x57: {  	[timem:s3], [sflag:s2] =	dma.local @!p0 [hbm:s0], s1  }
0x58: {  	s0 =	simm.s32 @!p0 $0x3  }
0x59: {  	_ =	swait.ge @!p0 [sflag:s0], s1  }
0x5a: {  	s1 =	ssub.s32 @!p0 $0x0, s1;
	[sflag:s0] =	ssyncset.done @!p0 $0x0  }
0x5b: {  	[sflag:s0] =	ssyncadd.s32 @!p0 s1  }
0x5c: {  	[bflag:$0x3] =	sbarrier.arrive $0xFFFF  }
0x5d: {  	_ =	shalt  }

// kernel: kernel.16.cloned.1.call-start
scs
__scs_entry_jumppad:
0x0: {  	(pc) =	sbr.rel $0x88, $3  }
0x1: {  	(tag) =	ssettag $0x0;
	lr =	simm.s32 $0x1  }
0x2: {  	[smem:$0x3F98] =	sst lr;
	_ =	strace $0xD0000000  }
0x3: {  	_ = 	snop  }
0x4: {  	_ = 	snop  }
0x5: {  	_ = 	snop  }
0x6: {  	_ = 	snop  }
0x7: {  	_ = 	snop  }
__scs_overlays_trampoline_lowered:
0x8: {  	[smem:$0x3FA7] =	sst s0  }
0x9: {  	[smem:$0x3FA8] =	sst s1  }
0xa: {  	[smem:$0x3FA9] =	sst s2  }
0xb: {  	[smem:$0x3FAA] =	sst s3  }
0xc: {  	[smem:$0x3FAB] =	sst s4  }
0xd: {  	[smem:$0x3FAC] =	sst s5  }
0xe: {  	[smem:$0x3FAD] =	sst s6  }
0xf: {  	[smem:$0x3FAE] =	sst s7  }
0x10: {  	[smem:$0x3FAF] =	sst s8  }
0x11: {  	[smem:$0x3FB0] =	sst s9;
	s0 =	simm.s32 @!p0 $0x0  }
0x12: {  	s1 =	sld [smem:$0x3F96];
	s0 =	simm.s32 @p0 $0x1  }
0x13: {  	[smem:$0x3FB1] =	sst s0;
	s0 =	simm.s32 @!p1 $0x0  }
0x14: {  	s2 =	sld [smem:$0x3F95];
	s0 =	simm.s32 @p1 $0x1  }
0x15: {  	[smem:$0x3FB2] =	sst s0;
	s0 =	simm.s32 @!p2 $0x0  }
0x16: {  	s3 =	sld [smem:$0x3FDB];
	s0 =	simm.s32 @p2 $0x1  }
0x17: {  	s4 =	simm.s32 $0x1BF5;
	[smem:$0x3FB4] =	sst s0  }
0x18: {  	s0 =	sld [smem:$0x3F97];
	_ =	swait.ge [sflag:s4], $0x0  }
0x19: {  	s7 =	sld [smem:$0x3F98]  }
0x1a: {  	s8 =	sadd.s32 $0xFFFFE003, lr  }
0x1b: {  	s9 =	sadd.s32 $0xFFFFFEF7, lr;
	s5 =	simm.s32 $0xFFFFFFFF;
	p2 =	slt.u32 s8, $0xFFFFF086  }
0x1c: {  	p1 =	slt.u32 s9, $0xF7A;
	s5 =	simm.s32 @!p2 $0x0  }
0x1d: {  	s5 =	simm.s32 @p1 $0x1;
	p0 =	seq.s32 s7, s2  }
0x1e: {  	s7 =	smul.u32 @!p0 $0xF7A, s2;
	p2 =	seq.s32 @!p0 s5, $0x0  }
0x1f: {  	s9 =	smul.u32 $0xF7A, s1;
	s8 =	simm.s32 @!p0 $0x1BF5;
	p2 =	por !p2, p0  }
0x20: {  	[sflag:s8] =	ssyncset.s32 @!p0 $0xFFFFF086;
	s6 =	sadd.s32 @!p0 s3, s7;
	s7 =	simm.s32 @!p0 $0x108  }
0x21: {  	s3 =	sadd.s32 s3, s9;
	s6 =	sadd.s32 @!p0 $0x88, s6;
	s7 =	simm.s32 @p2 $0x1082  }
0x22: {  	[simem:s7], [sflag:s8] =	dma.local @!p0 [hbm:s6], $0xF7A  }
0x23: {  	s9 =	sor.u32 $0xD0000000, s2;
	s6 =	simm.s32 $0x108;
	_ =	swait.ge @!p0 [sflag:s8], $0x0  }
0x24: {  	s3 =	sadd.s32 $0x88, s3;
	s6 =	simm.s32 @!p1 $0x1082;
	[sflag:s4] =	ssyncset.s32 $0xFFFFF086  }
0x25: {  	[simem:s6], [sflag:s4] =	dma.local [hbm:s3], $0xF7A  }
0x26: {  	[smem:$0x3F98] =	sst s1;
	(tag) =	ssettag s2;
	_ =	strace s9  }
0x27: {  	s1 =	sld [smem:$0x3FA8]  }
0x28: {  	s2 =	sld [smem:$0x3FA9]  }
0x29: {  	s4 =	sld [smem:$0x3FAB]  }
0x2a: {  	p0 =	seq.s32 s5, $0x0;
	s5 =	sld [smem:$0x3FAC]  }
0x2b: {  	s6 =	sld [smem:$0x3FAD]  }
0x2c: {  	s7 =	sld [smem:$0x3FAE]  }
0x2d: {  	s3 =	simm.s32 $0x108;
	s8 =	sld [smem:$0x3FAF]  }
0x2e: {  	s3 =	simm.s32 @!p0 $0x1082;
	s9 =	sld [smem:$0x3FB0]  }
0x2f: {  	lr =	sadd.s32 s0, s3;
	s0 =	sld [smem:$0x3FA7]  }
0x30: {  	s3 =	sld [smem:$0x3FAA]  }
0x31: {  	[smem:$0x3FB3] =	sst s10  }
0x32: {  	s10 =	sld [smem:$0x3FB1];
	_ =	sdelay $0x3  }
0x33: {  	p0 =	seq.s32 s10, $0x1;
	s10 =	sld [smem:$0x3FB3];
	_ =	sdelay $0x3  }
0x34: {  	[smem:$0x3FB3] =	sst s10  }
0x35: {  	s10 =	sld [smem:$0x3FB2];
	_ =	sdelay $0x3  }
0x36: {  	p1 =	seq.s32 s10, $0x1;
	s10 =	sld [smem:$0x3FB3];
	_ =	sdelay $0x3  }
0x37: {  	[smem:$0x3FB3] =	sst s10  }
0x38: {  	s10 =	sld [smem:$0x3FB4]  }
0x39: {  	_ = 	snop;
	(pc) =	sbr.ind lr, $3  }
0x3a: {  	_ = 	snop  }
0x3b: {  	_ = 	snop  }
0x3c: {  	p2 =	seq.s32 s10, $0x1;
	s10 =	sld [smem:$0x3FB3]  }
0x3d: {  	_ =	shalt  }
0x3e: {  	_ =	shalt  }
0x3f: {  	_ =	shalt  }
0x40: {  	_ =	shalt  }
0x41: {  	_ =	shalt  }
0x42: {  	_ =	shalt  }
0x43: {  	_ =	shalt  }
0x44: {  	_ =	shalt  }
0x45: {  	_ =	shalt  }
0x46: {  	_ =	shalt  }
0x47: {  	_ =	shalt  }
0x48: {  	_ =	shalt  }
0x49: {  	_ =	shalt  }
0x4a: {  	_ =	shalt  }
0x4b: {  	_ =	shalt  }
0x4c: {  	_ =	shalt  }
0x4d: {  	_ =	shalt  }
0x4e: {  	_ =	shalt  }
0x4f: {  	_ =	shalt  }
0x50: {  	_ =	shalt  }
0x51: {  	_ =	shalt  }
0x52: {  	_ =	shalt  }
0x53: {  	_ =	shalt  }
0x54: {  	_ =	shalt  }
0x55: {  	_ =	shalt  }
0x56: {  	_ =	shalt  }
0x57: {  	_ =	shalt  }
0x58: {  	_ =	shalt  }
0x59: {  	_ =	shalt  }
0x5a: {  	_ =	shalt  }
0x5b: {  	_ =	shalt  }
0x5c: {  	_ =	shalt  }
0x5d: {  	_ =	shalt  }
0x5e: {  	_ =	shalt  }
0x5f: {  	_ =	shalt  }
0x60: {  	_ =	shalt  }
0x61: {  	_ =	shalt  }
0x62: {  	_ =	shalt  }
0x63: {  	_ =	shalt  }
0x64: {  	_ =	shalt  }
0x65: {  	_ =	shalt  }
0x66: {  	_ =	shalt  }
0x67: {  	_ =	shalt  }
0x68: {  	_ =	shalt  }
0x69: {  	_ =	shalt  }
0x6a: {  	_ =	shalt  }
0x6b: {  	_ =	shalt  }
0x6c: {  	_ =	shalt  }
0x6d: {  	_ =	shalt  }
0x6e: {  	_ =	shalt  }
0x6f: {  	_ =	shalt  }
0x70: {  	_ =	shalt  }
0x71: {  	_ =	shalt  }
0x72: {  	_ =	shalt  }
0x73: {  	_ =	shalt  }
0x74: {  	_ =	shalt  }
0x75: {  	_ =	shalt  }
0x76: {  	_ =	shalt  }
0x77: {  	_ =	shalt  }
0x78: {  	_ =	shalt  }
0x79: {  	_ =	shalt  }
0x7a: {  	_ =	shalt  }
0x7b: {  	_ =	shalt  }
0x7c: {  	_ =	shalt  }
0x7d: {  	_ =	shalt  }
0x7e: {  	_ =	shalt  }
0x7f: {  	_ =	shalt  }
0x80: {  	_ =	shalt  }
0x81: {  	_ =	shalt  }
0x82: {  	_ =	shalt  }
0x83: {  	_ =	shalt  }
0x84: {  	_ =	shalt  }
0x85: {  	_ =	shalt  }
0x86: {  	_ =	shalt  }
0x87: {  	_ =	shalt  }
.Lfunc_end0:
.L_simem_size_0:
called_computation.2_lowered:
.L_overlay_start_0:
0x88: {  	s2 =	sld [smem:$0x3FD9]  }
0x89: {  	s3 =	sld [smem:$0x3FFE];
	_ =	sdelay $0x1  }
0x8a: {  	s1 =	srdreg.scid  }
0x8b: {  	s0 =	sand.u32 $0x1, s1  }
0x8c: {  	s16 =	sshll.u32 s0, $0xA;
	s2 =	sadd.s32 s3, s2  }
0x8d: {  	s2 =	sadd.s32 s2, s16  }
0x8e: {  	[smem:$0x3FBF] =	sst s2  }
0x8f: {  	_ = 	snop  }
0x90: {  	(tm) =	ssettm $0x1  }
0x91: {  	s17 =	sld [smem:$0x3FFB];
	_ =	sdelay $0x3  }
0x92: {  	_ =	strace s17  }
0x93: {  	s2 =	sld [smem:$0x3FFC];
	_ =	sdelay $0x3  }
0x94: {  	_ =	strace s2  }
0x95: {  	s2 =	sld [smem:$0x3FFD];
	_ =	sdelay $0x3  }
0x96: {  	_ =	strace s2  }
0x97: {  	_ =	strace $0x8FFFFFFF  }
0x98: {  	s18 =	sld [smem:$0x3FDB];
	_ =	sdelay $0x1  }
0x99: {  	s19 =	simm.s32 $_scs_section_size  }
0x9a: {  	s4 =	simm.s32 $_size__tile_overlayer_lowered;
	s5 =	simm.s32 $_tile_overlayer_lowered  }
0x9b: {  	s22 =	simm.s32 $0x1BFF;
	s21 =	sshll.u32 s5, $0x1;
	s2 =	sadd.s32 s19, s18  }
0x9c: {  	s6 =	simm.s32 $0x0;
	s20 =	sshll.u32 s4, $0x1;
	s4 =	sadd.s32 s21, s2  }
0x9d: {  	[timem:s6], [sflag:s22] =	dma.local [hbm:s4], s20  }
0x9e: {  	_ =	swait.ge [sflag:s22], s20  }
0x9f: {  	s3 =	ssub.s32 $0x0, s20;
	[sflag:s22] =	ssyncset.done $0x0  }
0xa0: {  	[sflag:s22] =	ssyncadd.s32 s3;
	_ =	sdelay $0x1  }
0xa1: {  	s23 =	simm.s32 $0x1B8B  }
0xa2: {  	_ =	swait.ge [sflag:s23], $0x1  }
0xa3: {  	[sflag:s23] =	ssyncset.done $0x0  }
0xa4: {  	s25 =	simm.s32 $0x1B8E;
	s24 =	sld [smem:$0x3FFE];
	[sflag:s23] =	ssyncadd.s32 $0xFFFFFFFF  }
0xa5: {  	s26 =	simm.s32 $execute0_lowered;
	[smem:$0x3FD2] =	sst s25  }
0xa6: {  	s4 =	sshll.u32 s26, $0x1;
	_ =	strace $0x8000004C;
	[dreg:$0x1] =	wrdreg $0xFFFFFFFF  }
0xa7: {  	s28 =	simm.s32 $_size_execute0_lowered;
	s2 =	sadd.s32 s2, s4;
	[dreg:$0x0] =	wrdreg $0x0  }
0xa8: {  	s4 =	sshll.u32 s28, $0x1;
	[dreg:$0x2] =	wrdreg s2  }
0xa9: {  	[dreg:$0x3] =	wrdreg s4  }
0xaa: {  	[dreg:$0x4] =	wrdreg $0xC0  }
0xab: {  	_ =	task [dreg:s6], $0x5FFFF  }
0xac: {  	[dreg:$0x1] =	wrdreg $0xFFFFFFFF  }
0xad: {  	[dreg:$0x0] =	wrdreg $0x60  }
0xae: {  	[dreg:$0x2] =	wrdreg s24  }
0xaf: {  	[dreg:$0x3] =	wrdreg $0x98000  }
0xb0: {  	[dreg:$0x4] =	wrdreg $0x9  }
0xb1: {  	_ =	task.clear_ibuf [dreg:s6], $0x5FFFF;
	_ =	strace $0x9000004C  }
0xb2: {  	s29 =	simm.s32 $0x9;
	_ =	strace $0x8000004E  }
0xb3: {  	_ =	swait.ge [sflag:s29], $0x1  }
0xb4: {  	[sflag:s29] =	ssyncadd.s32 $0xFFFFFFFF  }
0xb5: {  	_ =	strace $0x9000004E  }
0xb6: {  	_ =	sfence  }
0xb7: {  	s30 =	sld [smem:$0x0];
	_ =	sdelay $0x2  }
0xb8: {  	s31 =	sshll.u32 s1, $0xD;
	s1 =	sshrl.u32 s1, $0x2  }
0xb9: {  	s3 =	sand.u32 $0x4000, s31;
	s1 =	sadd.s32 s1, s30  }
0xba: {  	s0 =	sor.u32 s3, s0;
	s1 =	sshll.u32 s1, $0x11  }
0xbb: {  	s0 =	sor.u32 s1, s0  }
0xbc: {  	s0 =	sadd.s32 $0x8F2B, s0  }
0xbd: {  	[sflag:s0] =	ssyncadd.remote.s32 $0x1  }
0xbe: {  	_ =	sfence.sel $0xFFFF  }
0xbf: {  	[dreg:$0x0] =	wrdreg $0xFFFFFFFF;
	(pc) =	sbr.abs _section_cstart, $3  }
0xc0: {  	[dreg:$0x1] =	wrdreg $0xFFFFFFFF  }
0xc1: {  	_ =	task.clear_ibuf [dreg:s6], $0x2FFFF;
	_ =	strace $0x9FFFFFFF  }
0xc2: {  	(tm) =	ssettm $0x7FFFFFFF  }
0xc3: {  	_ =	shalt  }
tec
execute0_lowered:
.L_overlay_start_1:
0x0: {  	(tag) =	ssettag $0x1  }
0x1: {  	s6 =	rddreg [dreg:$0x0]  }
0x2: {  	s0 =	srdreg.scid;
	s2 =	rddreg [dreg:$0x1];
	s3 =	simm.s32 $0x0  }
0x3: {  	s18 =	simm.s32 $0x80;
	s19 =	simm.s32 $0x5800;
	s20 =	simm.s32 $0x1  }
0x4: {  	s21 =	simm.s32 $0x3;
	s5 =	sand.u32 $0x1, s0;
	s0 =	stileid.u32  }
0x5: {  	s23 =	simm.s32 $0x0;
	[smem:$0x7FF] =	sst s3;
	s8 =	smul.u32 $0x140000, s5  }
0x6: {  	s4 =	sadd.s32 $0x2C00, s6;
	s1 =	sshll.u32 s5, $0x4;
	s9 =	smul.u32 $0x14000, s0  }
0x7: {  	s30 =	ssub.s32 $0x2, s5;
	s10 =	smul.u32 $0x50000, s0;
	s5 =	sadd.s32 $0x2AC00, s6  }
0x8: {  	s22 =	sshll.u32 s0, $0x6;
	s1 =	sor.u32 s0, s1;
	s11 =	sshrl.u32 s30, $0x1  }
0x9: {  	s7 =	smul.u32 $0x580, s1;
	s1 =	rddreg [dreg:$0x2];
	_ =	strace $0x8000004D  }
0xa: {  	s8 =	sadd.s32 s9, s8;
	s11 =	ssub.s32 s30, s11;
	s31 =	sshrl.u32 s10, $0x2  }
0xb: {  	s8 =	sshrl.u32 s8, $0x3;
	s13 =	sadd.s32 s31, s2;
	s10 =	smax.u32 s11, $0x1  }
0xc: {  	s11 =	simm.s32 $0x2C00;
	s7 =	sadd.s32 s7, s6;
	s12 =	sadd.s32 s8, s6  }
0xd: {  	s8 =	sor.u32 $0x1C02, s22;
	s14 =	sadd.s32 $0x4000, s13;
	s15 =	sadd.s32 $0x8000, s13  }
0xe: {  	s16 =	sadd.s32 $0xC000, s13;
	s17 =	sadd.s32 $0x10000, s13;
	s22 =	sor.u32 $0x1C03, s22  }
0xf: {  	s6 =	sadd.s32 $0x6A600, s7;
	s7 =	sadd.s32 $0x5F600, s7;
	s9 =	sadd.s32 $0x75600, s12  }
0x10: {  	s12 =	sshrl.u32 s13, $0x3;
	s13 =	sshrl.u32 s14, $0x3;
	s14 =	sshrl.u32 s15, $0x3  }
0x11: {  	s15 =	sshrl.u32 s16, $0x3;
	s16 =	sshrl.u32 s17, $0x3;
	s17 =	simm.s32 $0x2  }
.LBB2_1:
0x12: {  	[tilespmem:s3], [sflag:$0x2] =	stream.linear.gather [hbm4b:s6+s3], $0x2880, $0x38;
	[tilespmem:$0x1D800] =	vst v63  }
0x13: {  	_ = 	snop  }
0x14: {  	[tilespmem:s11], [sflag:$0x2] =	stream.linear.gather [hbm4b:s7+s3], $0x2880, $0x38;
	[tilespmem:$0x1D800] =	vst v63  }
0x15: {  	[spmem:s12], [sflag:s8] =	dma.local [hbm:s5], $0x800  }
0x16: {  	[spmem:s13], [sflag:s8] =	dma.local [hbm:s5], $0x800  }
0x17: {  	[spmem:s14], [sflag:s8] =	dma.local [hbm:s5], $0x800  }
0x18: {  	[spmem:s15], [sflag:s8] =	dma.local [hbm:s5], $0x800  }
0x19: {  	[spmem:s16], [sflag:s8] =	dma.local [hbm:s5], $0x800  }
0x1a: {  	_ =	swait.ge [sflag:s17], $0x2880  }
0x1b: {  	[sflag:s17] =	ssyncset.done $0x0  }
0x1c: {  	[sflag:s17] =	ssyncadd.s32 $0xFFFFD780  }
0x1d: {  	_ =	swait.ge [sflag:s17], $0x2880  }
0x1e: {  	[sflag:s17] =	ssyncset.done $0x0  }
0x1f: {  	[sflag:s17] =	ssyncadd.s32 $0xFFFFD780  }
0x20: {  	_ =	swait.ge [sflag:s17], $0x800  }
0x21: {  	[sflag:s17] =	ssyncset.done $0x0  }
0x22: {  	[sflag:s17] =	ssyncadd.s32 $0xFFFFF800  }
0x23: {  	_ =	swait.ge [sflag:s17], $0x800  }
0x24: {  	[sflag:s17] =	ssyncset.done $0x0  }
0x25: {  	[sflag:s17] =	ssyncadd.s32 $0xFFFFF800  }
0x26: {  	_ =	swait.ge [sflag:s17], $0x800  }
0x27: {  	[sflag:s17] =	ssyncset.done $0x0  }
0x28: {  	[sflag:s17] =	ssyncadd.s32 $0xFFFFF800  }
0x29: {  	_ =	swait.ge [sflag:s17], $0x800  }
0x2a: {  	[sflag:s17] =	ssyncset.done $0x0  }
0x2b: {  	[sflag:s17] =	ssyncadd.s32 $0xFFFFF800  }
0x2c: {  	_ =	swait.ge [sflag:s17], $0x800  }
0x2d: {  	[sflag:s17] =	ssyncset.done $0x0  }
0x2e: {  	[sflag:s17] =	ssyncadd.s32 $0xFFFFF800  }
0x2f: {  	s24 =	simm.s32 $0x0;
	[bflag:$0x0] =	sbarrier.arrive $0xFFFF  }
0x30: {  	[tilespmem:s19], [sflag:$0x1] =	stream.indirect.gather [hbm4b:s4+s18], $0x80, s24, s18, $0xb8;
	[tilespmem:$0x1D800] =	vst v63  }
0x31: {  	_ =	swait.ge [sflag:s20], $0x4000  }
0x32: {  	[sflag:s20] =	ssyncset.done $0x0  }
0x33: {  	s31 =	simm.s32 $0x2C00;
	[sflag:s20] =	ssyncadd.s32 $0xFFFFC000  }
0x34: {  	[spmem:s2] =	stream.indirect.scatter.add.f32 [tilespmem:s19], [sflag:$0x3], $0x80, s31, s18, $0xb8;
	[tilespmem:$0x1D800] =	vst v63  }
0x35: {  	_ =	swait.ge [sflag:s21], $0x4000  }
0x36: {  	s25 =	simm.s32 $0x400;
	s24 =	simm.s32 $0x200;
	[sflag:s21] =	ssyncset.done $0x0  }
.LBB2_2:
0x37: {  	s26 =	sshra.s32 s24, $0x2  }
0x38: {  	[sflag:s21] =	ssyncadd.s32 $0xFFFFC000;
	s24 =	smov.u32 s25;
	s28 =	sadd.s32 $0x200, s25  }
0x39: {  	[tilespmem:s19], [sflag:$0x1] =	stream.indirect.gather [hbm4b:s4+s18], $0x80, s26, s18, $0xb8;
	[tilespmem:$0x1D800] =	vst v63  }
0x3a: {  	p0 =	sne.s32 s25, $0xA000;
	_ =	swait.ge [sflag:s20], $0x4000  }
.Ltmp0:
0x3b: {  	[sflag:s20] =	ssyncset.done $0x0;
	(pc) =	sbr.rel @p0 .LBB2_2-.Ltmp0, $4  }
0x3c: {  	s25 =	sadd.s32 $0x2C00, s26;
	[sflag:s20] =	ssyncadd.s32 $0xFFFFC000  }
0x3d: {  	[spmem:s2] =	stream.indirect.scatter.add.f32 [tilespmem:s19], [sflag:$0x3], $0x80, s25, s18, $0xb8;
	[tilespmem:$0x1D800] =	vst v63  }
0x3e: {  	_ =	swait.ge [sflag:s21], $0x4000  }
0x3f: {  	s25 =	smov.u32 s28;
	[sflag:s21] =	ssyncset.done $0x0  }
0x40: {  	s24 =	sshra.s32 s24, $0x2;
	[sflag:s21] =	ssyncadd.s32 $0xFFFFC000  }
0x41: {  	[tilespmem:s19], [sflag:$0x1] =	stream.indirect.gather [hbm4b:s4+s18], $0x80, s24, s18, $0xb8;
	[tilespmem:$0x1D800] =	vst v63  }
0x42: {  	_ =	swait.ge [sflag:s20], $0x4000  }
0x43: {  	[sflag:s20] =	ssyncset.done $0x0  }
0x44: {  	s24 =	sadd.s32 $0x2C00, s24;
	[sflag:s20] =	ssyncadd.s32 $0xFFFFC000  }
0x45: {  	[spmem:s2] =	stream.indirect.scatter.add.f32 [tilespmem:s19], [sflag:$0x3], $0x80, s24, s18, $0xb8;
	[tilespmem:$0x1D800] =	vst v63  }
0x46: {  	_ =	swait.ge [sflag:s21], $0x4000  }
0x47: {  	s23 =	sadd.s32 $0x1, s23;
	[sflag:s21] =	ssyncset.done $0x0  }
0x48: {  	p0 =	sne.s32 s23, s10;
	[sflag:s21] =	ssyncadd.s32 $0xFFFFC000  }
.Ltmp1:
0x49: {  	[bflag:$0x0] =	sbarrier.arrive $0xFFFF;
	(pc) =	sbr.rel @p0 .LBB2_1-.Ltmp1, $4  }
0x4a: {  	[hbm:s9], [sflag:s22] =	dma.local [spmem:s12], $0x2800  }
0x4b: {  	_ =	swait.ge [sflag:s21], $0x2800  }
0x4c: {  	[sflag:s21] =	ssyncset.done $0x0  }
0x4d: {  	[sflag:s21] =	ssyncadd.s32 $0xFFFFD800  }
0x4e: {  	_ =	sfence.sel $0x180000  }
0x4f: {  	[bflag:$0x0] =	sbarrier.arrive $0xFFFF  }
0x50: {  	p0 =	sne.s32 s0, $0x0;
	_ =	strace $0x9000004D  }
0x51: {  	s0 =	sadd.s32 @!p0 $0x100000, s1;
	[bflag:$0x2] =	sbarrier.arrive $0xFFFF  }
0x52: {  	[sflag:s0] =	ssyncadd.tile.s32 @!p0 $0x1;
	_ =	shalt  }
.Lfunc_end2:
_tile_overlayer_lowered:
.L_overlay_start_2:
0x53: {  	(tag) =	ssettag $0x2  }
0x54: {  	s0 =	rddreg [dreg:$0x0];
	s2 =	stileid.u32  }
0x55: {  	s1 =	rddreg [dreg:$0x1];
	p0 =	sne.s32 s2, $0x0  }
0x56: {  	s3 =	rddreg [dreg:$0x2];
	[bflag:$0x3] =	sbarrier.arrive $0xFFFF;
	s2 =	simm.s32 @!p0 $0x1C03  }
0x57: {  	[timem:s3], [sflag:s2] =	dma.local @!p0 [hbm:s0], s1  }
0x58: {  	s0 =	simm.s32 @!p0 $0x3  }
0x59: {  	_ =	swait.ge @!p0 [sflag:s0], s1  }
0x5a: {  	s1 =	ssub.s32 @!p0 $0x0, s1;
	[sflag:s0] =	ssyncset.done @!p0 $0x0  }
0x5b: {  	[sflag:s0] =	ssyncadd.s32 @!p0 s1  }
0x5c: {  	[bflag:$0x3] =	sbarrier.arrive $0xFFFF  }
0x5d: {  	_ =	shalt  }

// kernel: kernel.19.cloned.1.call-start
scs
__scs_entry_jumppad:
0x0: {  	(pc) =	sbr.rel $0x88, $3  }
0x1: {  	(tag) =	ssettag $0x0;
	lr =	simm.s32 $0x1  }
0x2: {  	[smem:$0x3F98] =	sst lr;
	_ =	strace $0xD0000000  }
0x3: {  	_ = 	snop  }
0x4: {  	_ = 	snop  }
0x5: {  	_ = 	snop  }
0x6: {  	_ = 	snop  }
0x7: {  	_ = 	snop  }
__scs_overlays_trampoline_lowered:
0x8: {  	[smem:$0x3FA7] =	sst s0  }
0x9: {  	[smem:$0x3FA8] =	sst s1  }
0xa: {  	[smem:$0x3FA9] =	sst s2  }
0xb: {  	[smem:$0x3FAA] =	sst s3  }
0xc: {  	[smem:$0x3FAB] =	sst s4  }
0xd: {  	[smem:$0x3FAC] =	sst s5  }
0xe: {  	[smem:$0x3FAD] =	sst s6  }
0xf: {  	[smem:$0x3FAE] =	sst s7  }
0x10: {  	[smem:$0x3FAF] =	sst s8  }
0x11: {  	[smem:$0x3FB0] =	sst s9;
	s0 =	simm.s32 @!p0 $0x0  }
0x12: {  	s1 =	sld [smem:$0x3F96];
	s0 =	simm.s32 @p0 $0x1  }
0x13: {  	[smem:$0x3FB1] =	sst s0;
	s0 =	simm.s32 @!p1 $0x0  }
0x14: {  	s2 =	sld [smem:$0x3F95];
	s0 =	simm.s32 @p1 $0x1  }
0x15: {  	[smem:$0x3FB2] =	sst s0;
	s0 =	simm.s32 @!p2 $0x0  }
0x16: {  	s3 =	sld [smem:$0x3FDB];
	s0 =	simm.s32 @p2 $0x1  }
0x17: {  	s4 =	simm.s32 $0x1BF5;
	[smem:$0x3FB4] =	sst s0  }
0x18: {  	s0 =	sld [smem:$0x3F97];
	_ =	swait.ge [sflag:s4], $0x0  }
0x19: {  	s7 =	sld [smem:$0x3F98]  }
0x1a: {  	s8 =	sadd.s32 $0xFFFFE003, lr  }
0x1b: {  	s9 =	sadd.s32 $0xFFFFFEF7, lr;
	s5 =	simm.s32 $0xFFFFFFFF;
	p2 =	slt.u32 s8, $0xFFFFF086  }
0x1c: {  	p1 =	slt.u32 s9, $0xF7A;
	s5 =	simm.s32 @!p2 $0x0  }
0x1d: {  	s5 =	simm.s32 @p1 $0x1;
	p0 =	seq.s32 s7, s2  }
0x1e: {  	s7 =	smul.u32 @!p0 $0xF7A, s2;
	p2 =	seq.s32 @!p0 s5, $0x0  }
0x1f: {  	s9 =	smul.u32 $0xF7A, s1;
	s8 =	simm.s32 @!p0 $0x1BF5;
	p2 =	por !p2, p0  }
0x20: {  	[sflag:s8] =	ssyncset.s32 @!p0 $0xFFFFF086;
	s6 =	sadd.s32 @!p0 s3, s7;
	s7 =	simm.s32 @!p0 $0x108  }
0x21: {  	s3 =	sadd.s32 s3, s9;
	s6 =	sadd.s32 @!p0 $0x88, s6;
	s7 =	simm.s32 @p2 $0x1082  }
0x22: {  	[simem:s7], [sflag:s8] =	dma.local @!p0 [hbm:s6], $0xF7A  }
0x23: {  	s9 =	sor.u32 $0xD0000000, s2;
	s6 =	simm.s32 $0x108;
	_ =	swait.ge @!p0 [sflag:s8], $0x0  }
0x24: {  	s3 =	sadd.s32 $0x88, s3;
	s6 =	simm.s32 @!p1 $0x1082;
	[sflag:s4] =	ssyncset.s32 $0xFFFFF086  }
0x25: {  	[simem:s6], [sflag:s4] =	dma.local [hbm:s3], $0xF7A  }
0x26: {  	[smem:$0x3F98] =	sst s1;
	(tag) =	ssettag s2;
	_ =	strace s9  }
0x27: {  	s1 =	sld [smem:$0x3FA8]  }
0x28: {  	s2 =	sld [smem:$0x3FA9]  }
0x29: {  	s4 =	sld [smem:$0x3FAB]  }
0x2a: {  	p0 =	seq.s32 s5, $0x0;
	s5 =	sld [smem:$0x3FAC]  }
0x2b: {  	s6 =	sld [smem:$0x3FAD]  }
0x2c: {  	s7 =	sld [smem:$0x3FAE]  }
0x2d: {  	s3 =	simm.s32 $0x108;
	s8 =	sld [smem:$0x3FAF]  }
0x2e: {  	s3 =	simm.s32 @!p0 $0x1082;
	s9 =	sld [smem:$0x3FB0]  }
0x2f: {  	lr =	sadd.s32 s0, s3;
	s0 =	sld [smem:$0x3FA7]  }
0x30: {  	s3 =	sld [smem:$0x3FAA]  }
0x31: {  	[smem:$0x3FB3] =	sst s10  }
0x32: {  	s10 =	sld [smem:$0x3FB1];
	_ =	sdelay $0x3  }
0x33: {  	p0 =	seq.s32 s10, $0x1;
	s10 =	sld [smem:$0x3FB3];
	_ =	sdelay $0x3  }
0x34: {  	[smem:$0x3FB3] =	sst s10  }
0x35: {  	s10 =	sld [smem:$0x3FB2];
	_ =	sdelay $0x3  }
0x36: {  	p1 =	seq.s32 s10, $0x1;
	s10 =	sld [smem:$0x3FB3];
	_ =	sdelay $0x3  }
0x37: {  	[smem:$0x3FB3] =	sst s10  }
0x38: {  	s10 =	sld [smem:$0x3FB4]  }
0x39: {  	_ = 	snop;
	(pc) =	sbr.ind lr, $3  }
0x3a: {  	_ = 	snop  }
0x3b: {  	_ = 	snop  }
0x3c: {  	p2 =	seq.s32 s10, $0x1;
	s10 =	sld [smem:$0x3FB3]  }
0x3d: {  	_ =	shalt  }
0x3e: {  	_ =	shalt  }
0x3f: {  	_ =	shalt  }
0x40: {  	_ =	shalt  }
0x41: {  	_ =	shalt  }
0x42: {  	_ =	shalt  }
0x43: {  	_ =	shalt  }
0x44: {  	_ =	shalt  }
0x45: {  	_ =	shalt  }
0x46: {  	_ =	shalt  }
0x47: {  	_ =	shalt  }
0x48: {  	_ =	shalt  }
0x49: {  	_ =	shalt  }
0x4a: {  	_ =	shalt  }
0x4b: {  	_ =	shalt  }
0x4c: {  	_ =	shalt  }
0x4d: {  	_ =	shalt  }
0x4e: {  	_ =	shalt  }
0x4f: {  	_ =	shalt  }
0x50: {  	_ =	shalt  }
0x51: {  	_ =	shalt  }
0x52: {  	_ =	shalt  }
0x53: {  	_ =	shalt  }
0x54: {  	_ =	shalt  }
0x55: {  	_ =	shalt  }
0x56: {  	_ =	shalt  }
0x57: {  	_ =	shalt  }
0x58: {  	_ =	shalt  }
0x59: {  	_ =	shalt  }
0x5a: {  	_ =	shalt  }
0x5b: {  	_ =	shalt  }
0x5c: {  	_ =	shalt  }
0x5d: {  	_ =	shalt  }
0x5e: {  	_ =	shalt  }
0x5f: {  	_ =	shalt  }
0x60: {  	_ =	shalt  }
0x61: {  	_ =	shalt  }
0x62: {  	_ =	shalt  }
0x63: {  	_ =	shalt  }
0x64: {  	_ =	shalt  }
0x65: {  	_ =	shalt  }
0x66: {  	_ =	shalt  }
0x67: {  	_ =	shalt  }
0x68: {  	_ =	shalt  }
0x69: {  	_ =	shalt  }
0x6a: {  	_ =	shalt  }
0x6b: {  	_ =	shalt  }
0x6c: {  	_ =	shalt  }
0x6d: {  	_ =	shalt  }
0x6e: {  	_ =	shalt  }
0x6f: {  	_ =	shalt  }
0x70: {  	_ =	shalt  }
0x71: {  	_ =	shalt  }
0x72: {  	_ =	shalt  }
0x73: {  	_ =	shalt  }
0x74: {  	_ =	shalt  }
0x75: {  	_ =	shalt  }
0x76: {  	_ =	shalt  }
0x77: {  	_ =	shalt  }
0x78: {  	_ =	shalt  }
0x79: {  	_ =	shalt  }
0x7a: {  	_ =	shalt  }
0x7b: {  	_ =	shalt  }
0x7c: {  	_ =	shalt  }
0x7d: {  	_ =	shalt  }
0x7e: {  	_ =	shalt  }
0x7f: {  	_ =	shalt  }
0x80: {  	_ =	shalt  }
0x81: {  	_ =	shalt  }
0x82: {  	_ =	shalt  }
0x83: {  	_ =	shalt  }
0x84: {  	_ =	shalt  }
0x85: {  	_ =	shalt  }
0x86: {  	_ =	shalt  }
0x87: {  	_ =	shalt  }
.Lfunc_end0:
.L_simem_size_0:
called_computation.3_lowered:
.L_overlay_start_0:
0x88: {  	s2 =	sld [smem:$0x3FD9]  }
0x89: {  	s3 =	sld [smem:$0x3FFE];
	_ =	sdelay $0x1  }
0x8a: {  	s1 =	srdreg.scid  }
0x8b: {  	s0 =	sand.u32 $0x1, s1  }
0x8c: {  	s16 =	sshll.u32 s0, $0xA;
	s2 =	sadd.s32 s3, s2  }
0x8d: {  	s2 =	sadd.s32 s2, s16  }
0x8e: {  	[smem:$0x3FBF] =	sst s2  }
0x8f: {  	_ = 	snop  }
0x90: {  	(tm) =	ssettm $0x1  }
0x91: {  	s17 =	sld [smem:$0x3FFB];
	_ =	sdelay $0x3  }
0x92: {  	_ =	strace s17  }
0x93: {  	s2 =	sld [smem:$0x3FFC];
	_ =	sdelay $0x3  }
0x94: {  	_ =	strace s2  }
0x95: {  	s2 =	sld [smem:$0x3FFD];
	_ =	sdelay $0x3  }
0x96: {  	_ =	strace s2  }
0x97: {  	_ =	strace $0x8FFFFFFF  }
0x98: {  	s18 =	sld [smem:$0x3FDB];
	_ =	sdelay $0x1  }
0x99: {  	s19 =	simm.s32 $_scs_section_size  }
0x9a: {  	s4 =	simm.s32 $_size__tile_overlayer_lowered;
	s5 =	simm.s32 $_tile_overlayer_lowered  }
0x9b: {  	s22 =	simm.s32 $0x1BFF;
	s21 =	sshll.u32 s5, $0x1;
	s2 =	sadd.s32 s19, s18  }
0x9c: {  	s6 =	simm.s32 $0x0;
	s20 =	sshll.u32 s4, $0x1;
	s4 =	sadd.s32 s21, s2  }
0x9d: {  	[timem:s6], [sflag:s22] =	dma.local [hbm:s4], s20  }
0x9e: {  	_ =	swait.ge [sflag:s22], s20  }
0x9f: {  	s3 =	ssub.s32 $0x0, s20;
	[sflag:s22] =	ssyncset.done $0x0  }
0xa0: {  	[sflag:s22] =	ssyncadd.s32 s3;
	_ =	sdelay $0x1  }
0xa1: {  	s23 =	simm.s32 $0x1B8B  }
0xa2: {  	_ =	swait.ge [sflag:s23], $0x1  }
0xa3: {  	[sflag:s23] =	ssyncset.done $0x0  }
0xa4: {  	s25 =	simm.s32 $0x1B8E;
	s24 =	sld [smem:$0x3FFE];
	[sflag:s23] =	ssyncadd.s32 $0xFFFFFFFF  }
0xa5: {  	s26 =	simm.s32 $execute0_lowered;
	[smem:$0x3FD2] =	sst s25  }
0xa6: {  	s4 =	sshll.u32 s26, $0x1;
	_ =	strace $0x8000004F;
	[dreg:$0x1] =	wrdreg $0xFFFFFFFF  }
0xa7: {  	s28 =	simm.s32 $_size_execute0_lowered;
	s2 =	sadd.s32 s2, s4;
	[dreg:$0x0] =	wrdreg $0x0  }
0xa8: {  	s4 =	sshll.u32 s28, $0x1;
	[dreg:$0x2] =	wrdreg s2  }
0xa9: {  	[dreg:$0x3] =	wrdreg s4  }
0xaa: {  	[dreg:$0x4] =	wrdreg $0xC0  }
0xab: {  	_ =	task [dreg:s6], $0x5FFFF  }
0xac: {  	[dreg:$0x1] =	wrdreg $0xFFFFFFFF  }
0xad: {  	[dreg:$0x0] =	wrdreg $0x60  }
0xae: {  	[dreg:$0x2] =	wrdreg s24  }
0xaf: {  	[dreg:$0x3] =	wrdreg $0x98000  }
0xb0: {  	[dreg:$0x4] =	wrdreg $0x9  }
0xb1: {  	_ =	task.clear_ibuf [dreg:s6], $0x5FFFF;
	_ =	strace $0x9000004F  }
0xb2: {  	s29 =	simm.s32 $0x9;
	_ =	strace $0x80000051  }
0xb3: {  	_ =	swait.ge [sflag:s29], $0x1  }
0xb4: {  	[sflag:s29] =	ssyncadd.s32 $0xFFFFFFFF  }
0xb5: {  	_ =	strace $0x90000051  }
0xb6: {  	_ =	sfence  }
0xb7: {  	s30 =	sld [smem:$0x0];
	_ =	sdelay $0x2  }
0xb8: {  	s31 =	sshll.u32 s1, $0xD;
	s1 =	sshrl.u32 s1, $0x2  }
0xb9: {  	s3 =	sand.u32 $0x4000, s31;
	s1 =	sadd.s32 s1, s30  }
0xba: {  	s0 =	sor.u32 s3, s0;
	s1 =	sshll.u32 s1, $0x11  }
0xbb: {  	s0 =	sor.u32 s1, s0  }
0xbc: {  	s0 =	sadd.s32 $0x8F2B, s0  }
0xbd: {  	[sflag:s0] =	ssyncadd.remote.s32 $0x1  }
0xbe: {  	_ =	sfence.sel $0xFFFF  }
0xbf: {  	[dreg:$0x0] =	wrdreg $0xFFFFFFFF;
	(pc) =	sbr.abs _section_cstart, $3  }
0xc0: {  	[dreg:$0x1] =	wrdreg $0xFFFFFFFF  }
0xc1: {  	_ =	task.clear_ibuf [dreg:s6], $0x2FFFF;
	_ =	strace $0x9FFFFFFF  }
0xc2: {  	(tm) =	ssettm $0x7FFFFFFF  }
0xc3: {  	_ =	shalt  }
tec
execute0_lowered:
.L_overlay_start_1:
0x0: {  	(tag) =	ssettag $0x1  }
0x1: {  	s6 =	rddreg [dreg:$0x0]  }
0x2: {  	s0 =	srdreg.scid;
	s2 =	rddreg [dreg:$0x1];
	s3 =	simm.s32 $0x0  }
0x3: {  	s18 =	simm.s32 $0x80;
	s19 =	simm.s32 $0x5800;
	s20 =	simm.s32 $0x1  }
0x4: {  	s21 =	simm.s32 $0x3;
	s5 =	sand.u32 $0x1, s0;
	s0 =	stileid.u32  }
0x5: {  	s23 =	simm.s32 $0x0;
	[smem:$0x7FF] =	sst s3;
	s8 =	smul.u32 $0x140000, s5  }
0x6: {  	s4 =	sadd.s32 $0x2C00, s6;
	s1 =	sshll.u32 s5, $0x4;
	s9 =	smul.u32 $0x14000, s0  }
0x7: {  	s30 =	ssub.s32 $0x2, s5;
	s10 =	smul.u32 $0x50000, s0;
	s5 =	sadd.s32 $0x2AC00, s6  }
0x8: {  	s22 =	sshll.u32 s0, $0x6;
	s1 =	sor.u32 s0, s1;
	s11 =	sshrl.u32 s30, $0x1  }
0x9: {  	s7 =	smul.u32 $0x580, s1;
	s1 =	rddreg [dreg:$0x2];
	_ =	strace $0x80000050  }
0xa: {  	s8 =	sadd.s32 s9, s8;
	s11 =	ssub.s32 s30, s11;
	s31 =	sshrl.u32 s10, $0x2  }
0xb: {  	s8 =	sshrl.u32 s8, $0x3;
	s13 =	sadd.s32 s31, s2;
	s10 =	smax.u32 s11, $0x1  }
0xc: {  	s11 =	simm.s32 $0x2C00;
	s7 =	sadd.s32 s7, s6;
	s12 =	sadd.s32 s8, s6  }
0xd: {  	s8 =	sor.u32 $0x1C02, s22;
	s14 =	sadd.s32 $0x4000, s13;
	s15 =	sadd.s32 $0x8000, s13  }
0xe: {  	s16 =	sadd.s32 $0xC000, s13;
	s17 =	sadd.s32 $0x10000, s13;
	s22 =	sor.u32 $0x1C03, s22  }
0xf: {  	s6 =	sadd.s32 $0x6A600, s7;
	s7 =	sadd.s32 $0x5F600, s7;
	s9 =	sadd.s32 $0x75600, s12  }
0x10: {  	s12 =	sshrl.u32 s13, $0x3;
	s13 =	sshrl.u32 s14, $0x3;
	s14 =	sshrl.u32 s15, $0x3  }
0x11: {  	s15 =	sshrl.u32 s16, $0x3;
	s16 =	sshrl.u32 s17, $0x3;
	s17 =	simm.s32 $0x2  }
.LBB2_1:
0x12: {  	[tilespmem:s3], [sflag:$0x2] =	stream.linear.gather [hbm4b:s6+s3], $0x2880, $0x38;
	[tilespmem:$0x1D800] =	vst v63  }
0x13: {  	_ = 	snop  }
0x14: {  	[tilespmem:s11], [sflag:$0x2] =	stream.linear.gather [hbm4b:s7+s3], $0x2880, $0x38;
	[tilespmem:$0x1D800] =	vst v63  }
0x15: {  	[spmem:s12], [sflag:s8] =	dma.local [hbm:s5], $0x800  }
0x16: {  	[spmem:s13], [sflag:s8] =	dma.local [hbm:s5], $0x800  }
0x17: {  	[spmem:s14], [sflag:s8] =	dma.local [hbm:s5], $0x800  }
0x18: {  	[spmem:s15], [sflag:s8] =	dma.local [hbm:s5], $0x800  }
0x19: {  	[spmem:s16], [sflag:s8] =	dma.local [hbm:s5], $0x800  }
0x1a: {  	_ =	swait.ge [sflag:s17], $0x2880  }
0x1b: {  	[sflag:s17] =	ssyncset.done $0x0  }
0x1c: {  	[sflag:s17] =	ssyncadd.s32 $0xFFFFD780  }
0x1d: {  	_ =	swait.ge [sflag:s17], $0x2880  }
0x1e: {  	[sflag:s17] =	ssyncset.done $0x0  }
0x1f: {  	[sflag:s17] =	ssyncadd.s32 $0xFFFFD780  }
0x20: {  	_ =	swait.ge [sflag:s17], $0x800  }
0x21: {  	[sflag:s17] =	ssyncset.done $0x0  }
0x22: {  	[sflag:s17] =	ssyncadd.s32 $0xFFFFF800  }
0x23: {  	_ =	swait.ge [sflag:s17], $0x800  }
0x24: {  	[sflag:s17] =	ssyncset.done $0x0  }
0x25: {  	[sflag:s17] =	ssyncadd.s32 $0xFFFFF800  }
0x26: {  	_ =	swait.ge [sflag:s17], $0x800  }
0x27: {  	[sflag:s17] =	ssyncset.done $0x0  }
0x28: {  	[sflag:s17] =	ssyncadd.s32 $0xFFFFF800  }
0x29: {  	_ =	swait.ge [sflag:s17], $0x800  }
0x2a: {  	[sflag:s17] =	ssyncset.done $0x0  }
0x2b: {  	[sflag:s17] =	ssyncadd.s32 $0xFFFFF800  }
0x2c: {  	_ =	swait.ge [sflag:s17], $0x800  }
0x2d: {  	[sflag:s17] =	ssyncset.done $0x0  }
0x2e: {  	[sflag:s17] =	ssyncadd.s32 $0xFFFFF800  }
0x2f: {  	s24 =	simm.s32 $0x0;
	[bflag:$0x0] =	sbarrier.arrive $0xFFFF  }
0x30: {  	[tilespmem:s19], [sflag:$0x1] =	stream.indirect.gather [hbm4b:s4+s18], $0x80, s24, s18, $0xb8;
	[tilespmem:$0x1D800] =	vst v63  }
0x31: {  	_ =	swait.ge [sflag:s20], $0x4000  }
0x32: {  	[sflag:s20] =	ssyncset.done $0x0  }
0x33: {  	s31 =	simm.s32 $0x2C00;
	[sflag:s20] =	ssyncadd.s32 $0xFFFFC000  }
0x34: {  	[spmem:s2] =	stream.indirect.scatter.add.f32 [tilespmem:s19], [sflag:$0x3], $0x80, s31, s18, $0xb8;
	[tilespmem:$0x1D800] =	vst v63  }
0x35: {  	_ =	swait.ge [sflag:s21], $0x4000  }
0x36: {  	s25 =	simm.s32 $0x400;
	s24 =	simm.s32 $0x200;
	[sflag:s21] =	ssyncset.done $0x0  }
.LBB2_2:
0x37: {  	s26 =	sshra.s32 s24, $0x2  }
0x38: {  	[sflag:s21] =	ssyncadd.s32 $0xFFFFC000;
	s24 =	smov.u32 s25;
	s28 =	sadd.s32 $0x200, s25  }
0x39: {  	[tilespmem:s19], [sflag:$0x1] =	stream.indirect.gather [hbm4b:s4+s18], $0x80, s26, s18, $0xb8;
	[tilespmem:$0x1D800] =	vst v63  }
0x3a: {  	p0 =	sne.s32 s25, $0xA000;
	_ =	swait.ge [sflag:s20], $0x4000  }
.Ltmp0:
0x3b: {  	[sflag:s20] =	ssyncset.done $0x0;
	(pc) =	sbr.rel @p0 .LBB2_2-.Ltmp0, $4  }
0x3c: {  	s25 =	sadd.s32 $0x2C00, s26;
	[sflag:s20] =	ssyncadd.s32 $0xFFFFC000  }
0x3d: {  	[spmem:s2] =	stream.indirect.scatter.add.f32 [tilespmem:s19], [sflag:$0x3], $0x80, s25, s18, $0xb8;
	[tilespmem:$0x1D800] =	vst v63  }
0x3e: {  	_ =	swait.ge [sflag:s21], $0x4000  }
0x3f: {  	s25 =	smov.u32 s28;
	[sflag:s21] =	ssyncset.done $0x0  }
0x40: {  	s24 =	sshra.s32 s24, $0x2;
	[sflag:s21] =	ssyncadd.s32 $0xFFFFC000  }
0x41: {  	[tilespmem:s19], [sflag:$0x1] =	stream.indirect.gather [hbm4b:s4+s18], $0x80, s24, s18, $0xb8;
	[tilespmem:$0x1D800] =	vst v63  }
0x42: {  	_ =	swait.ge [sflag:s20], $0x4000  }
0x43: {  	[sflag:s20] =	ssyncset.done $0x0  }
0x44: {  	s24 =	sadd.s32 $0x2C00, s24;
	[sflag:s20] =	ssyncadd.s32 $0xFFFFC000  }
0x45: {  	[spmem:s2] =	stream.indirect.scatter.add.f32 [tilespmem:s19], [sflag:$0x3], $0x80, s24, s18, $0xb8;
	[tilespmem:$0x1D800] =	vst v63  }
0x46: {  	_ =	swait.ge [sflag:s21], $0x4000  }
0x47: {  	s23 =	sadd.s32 $0x1, s23;
	[sflag:s21] =	ssyncset.done $0x0  }
0x48: {  	p0 =	sne.s32 s23, s10;
	[sflag:s21] =	ssyncadd.s32 $0xFFFFC000  }
.Ltmp1:
0x49: {  	[bflag:$0x0] =	sbarrier.arrive $0xFFFF;
	(pc) =	sbr.rel @p0 .LBB2_1-.Ltmp1, $4  }
0x4a: {  	[hbm:s9], [sflag:s22] =	dma.local [spmem:s12], $0x2800  }
0x4b: {  	_ =	swait.ge [sflag:s21], $0x2800  }
0x4c: {  	[sflag:s21] =	ssyncset.done $0x0  }
0x4d: {  	[sflag:s21] =	ssyncadd.s32 $0xFFFFD800  }
0x4e: {  	_ =	sfence.sel $0x180000  }
0x4f: {  	[bflag:$0x0] =	sbarrier.arrive $0xFFFF  }
0x50: {  	p0 =	sne.s32 s0, $0x0;
	_ =	strace $0x90000050  }
0x51: {  	s0 =	sadd.s32 @!p0 $0x100000, s1;
	[bflag:$0x2] =	sbarrier.arrive $0xFFFF  }
0x52: {  	[sflag:s0] =	ssyncadd.tile.s32 @!p0 $0x1;
	_ =	shalt  }
.Lfunc_end2:
_tile_overlayer_lowered:
.L_overlay_start_2:
0x53: {  	(tag) =	ssettag $0x2  }
0x54: {  	s0 =	rddreg [dreg:$0x0];
	s2 =	stileid.u32  }
0x55: {  	s1 =	rddreg [dreg:$0x1];
	p0 =	sne.s32 s2, $0x0  }
0x56: {  	s3 =	rddreg [dreg:$0x2];
	[bflag:$0x3] =	sbarrier.arrive $0xFFFF;
	s2 =	simm.s32 @!p0 $0x1C03  }
0x57: {  	[timem:s3], [sflag:s2] =	dma.local @!p0 [hbm:s0], s1  }
0x58: {  	s0 =	simm.s32 @!p0 $0x3  }
0x59: {  	_ =	swait.ge @!p0 [sflag:s0], s1  }
0x5a: {  	s1 =	ssub.s32 @!p0 $0x0, s1;
	[sflag:s0] =	ssyncset.done @!p0 $0x0  }
0x5b: {  	[sflag:s0] =	ssyncadd.s32 @!p0 s1  }
0x5c: {  	[bflag:$0x3] =	sbarrier.arrive $0xFFFF  }
0x5d: {  	_ =	shalt  }

</sc_bundles>
